<compile_context>
chip_gen: v7x
topology: tpu7x:2x2x1
jax: 0.10.2.dev20260603
libtpu: 0.0.44.dev20260713+nightly
codegen_flags: <defaults>
</compile_context>

<pallas_src>
import functools

import jax
import jax.numpy as jnp
from jax import lax
from jax.experimental import pallas as pl
from jax.experimental.pallas import tpu as pltpu
from jax.experimental.pallas import tpu_sc as plsc

D = 64
DP = 128
B_ = 4096
L_ = 200

NC = 2
NS = 16
NW = NC * NS

TOTAL = B_ * L_
PER_W = TOTAL // NW
SUB = 128
IDX_ROWS = PER_W // SUB
HALF = 256
NGATHER = HALF // SUB
NHALF = PER_W // HALF

SCALE = 8.0


def _make_kernel():
  mesh = plsc.VectorSubcoreMesh(core_axis_name="c", subcore_axis_name="s")

  @functools.partial(
      pl.kernel,
      mesh=mesh,
      out_type=jax.ShapeDtypeStruct((TOTAL, DP), jnp.float32),
      scratch_types=[
          pltpu.VMEM((IDX_ROWS, SUB), jnp.int32),
          pltpu.VMEM((2 * HALF, DP), jnp.float32),
          pltpu.SemaphoreType.DMA,
          pltpu.SemaphoreType.DMA,
      ],
  )
  def k(table_hbm, idx_hbm, out_hbm, idx_v, rows_v, gsem, ssem):
    wid = lax.axis_index("s") * NC + lax.axis_index("c")
    row0 = wid * IDX_ROWS
    out0 = wid * PER_W

    pltpu.sync_copy(idx_hbm.at[pl.ds(row0, IDX_ROWS)], idx_v)

    def fire_gathers(h, buf):
      for s in range(NGATHER):
        pltpu.async_copy(
            table_hbm.at[idx_v.at[h * NGATHER + s]],
            rows_v.at[pl.ds(buf * HALF + s * SUB, SUB)],
            gsem,
        )

    def wait_gathers(h, buf):
      for s in range(NGATHER):
        pltpu.make_async_copy(
            table_hbm.at[idx_v.at[h * NGATHER + s]],
            rows_v.at[pl.ds(buf * HALF + s * SUB, SUB)],
            gsem,
        ).wait()

    def scale(buf):
      base = buf * HALF

      def scale_row(i, _):
        for j in range(D // 16):
          sl = pl.ds(j * 16, 16)
          rows_v[base + i, sl] = rows_v[base + i, sl] * SCALE
        return 0

      lax.fori_loop(0, HALF, scale_row, 0, unroll=4)

    def store_copy(h, buf):
      return pltpu.make_async_copy(
          rows_v.at[pl.ds(buf * HALF, HALF)],
          out_hbm.at[pl.ds(out0 + h * HALF, HALF)],
          ssem,
      )

    fire_gathers(0, 0)
    fire_gathers(1, 1)
    wait_gathers(0, 0)
    scale(0)
    store_copy(0, 0).start()

    def body(h, _):
      buf = lax.rem(h, 2)
      nxt = 1 - buf
      store_copy(h - 1, nxt).wait()
      fire_gathers(h + 1, nxt)
      wait_gathers(h, buf)
      scale(buf)
      store_copy(h, buf).start()
      return 0

    lax.fori_loop(1, NHALF - 1, body, 0)

    h = NHALF - 1
    buf = h % 2
    wait_gathers(h, buf)
    scale(buf)
    store_copy(h, buf).start()
    store_copy(h - 1, 1 - buf).wait()
    store_copy(h, buf).wait()

  return k


_kernel = _make_kernel()


def kernel(x, embedding):
  table = jnp.concatenate(
      [embedding, jnp.zeros((embedding.shape[0], DP - D), jnp.float32)], axis=1)
  idx = x.reshape(TOTAL // SUB, SUB).astype(jnp.int32)
  out = _kernel(table, idx)
  return out.reshape(B_, L_, DP)[:, :, :D]

# --- scband reference (transcript-rebuilt; emitter-appended) ---
"""Pipeline reference for scband-embedder-11098195493650 (READ-ONLY COPY).

The authoritative reference and input builder live on the scoring server;
editing this copy changes nothing except your own understanding.
"""

import jax, jax.numpy as jnp
import numpy as np

VOCAB = 1000000
EMBED_DIM = 64
B = 4096
L = 200

def setup_inputs(seed: int = 0) -> dict:
    key = jax.random.key(seed)
    k1, k2 = jax.random.split(key)
    x = jax.random.randint(k1, (B, L), 0, VOCAB, dtype=jnp.int64) if jax.config.jax_enable_x64 else jax.random.randint(k1, (B, L), 0, VOCAB, dtype=jnp.int32)
    embedding = jax.random.normal(k2, (VOCAB, EMBED_DIM), dtype=jnp.float32) * 0.02
    return {"x": x, "embedding": embedding}

def reference(x, embedding):
    # Embedder.encode: gather rows from the table, then scale by sqrt(embed_dim).
    out = jnp.take(embedding, x, axis=0)
    out = out * jnp.sqrt(jnp.asarray(EMBED_DIM, dtype=out.dtype))
    return out

if __name__ == "__main__":
    import jax
    _d = setup_inputs()
    print(jax.jit(kernel)(*tuple(_d.values())))

</pallas_src>

<mosaic_0001>
#map = affine_map<(d0, d1) -> (0, 0)>
module attributes {stable_mosaic.version = 14 : i64} {
  func.func @k(%arg0: i32, %arg1: i32, %arg2: memref<1000000x128xf32, #tpu.memory_space<hbm>>, %arg3: memref<6400x128xi32, #tpu.memory_space<hbm>>, %arg4: memref<819200x128xf32, #tpu.memory_space<hbm>>, %arg5: memref<200x128xi32, #tpu.memory_space<vmem>>, %arg6: memref<512x128xf32, #tpu.memory_space<vmem>>, %arg7: memref<!tpu.dma_semaphore, #tpu.memory_space<semaphore_mem>>, %arg8: memref<!tpu.dma_semaphore, #tpu.memory_space<semaphore_mem>>) attributes {dimension_semantics = [#tpu.dimension_semantics<core_parallel>, #tpu.dimension_semantics<subcore_parallel>], iteration_bounds = array<i64: 2, 16>, scalar_prefetch = 0 : i64, scratch_operands = 4 : i64, tpu.core_type = #tpu.core_type<sc_vector_subcore>, window_params = [{transform_indices = #map}, {transform_indices = #map}, {transform_indices = #map}]} {
    %mul3A = arith.constant 2 : i32
    %mul3A_0 = arith.muli %arg1, %mul3A : i32
    %add3A = arith.addi %mul3A_0, %arg0 : i32
    %mul3A_1 = arith.constant 200 : i32
    %mul3A_2 = arith.muli %add3A, %mul3A_1 : i32
    %mul3A_3 = arith.constant 25600 : i32
    %mul3A_4 = arith.muli %add3A, %mul3A_3 : i32
    "tpu.region"() ({
      %run_scoped3A = tpu.sem_alloc : memref<!tpu.dma_semaphore, #tpu.memory_space<semaphore_mem>>
      %dma_start3A_151 = arith.constant 0 : i32
      %dma_start3A_152 = tpu.memref_slice %arg3[%mul3A_2, %dma_start3A_151] : memref<6400x128xi32, #tpu.memory_space<hbm>> -> memref<200x128xi32, #tpu.memory_space<hbm>>
      %dma_start3A_153 = arith.constant 0 : i32
      %dma_start3A_154 = tpu.memref_slice %arg3[%mul3A_2, %dma_start3A_153] : memref<6400x128xi32, #tpu.memory_space<hbm>> -> memref<200x128xi32, #tpu.memory_space<hbm>>
      tpu.enqueue_dma source(%dma_start3A_154 : memref<200x128xi32, #tpu.memory_space<hbm>>) target(%arg5 : memref<200x128xi32, #tpu.memory_space<vmem>>) target_semaphore(%run_scoped3A : memref<!tpu.dma_semaphore, #tpu.memory_space<semaphore_mem>>)
      %dma_wait3A_155 = arith.constant 0 : i32
      %dma_wait3A_156 = tpu.memref_slice %arg3[%mul3A_2, %dma_wait3A_155] : memref<6400x128xi32, #tpu.memory_space<hbm>> -> memref<200x128xi32, #tpu.memory_space<hbm>>
      %dma_wait3A_157 = arith.constant 0 : i32
      %dma_wait3A_158 = tpu.memref_slice %arg3[%mul3A_2, %dma_wait3A_157] : memref<6400x128xi32, #tpu.memory_space<hbm>> -> memref<200x128xi32, #tpu.memory_space<hbm>>
      tpu.wait_dma2 semaphore(%run_scoped3A : memref<!tpu.dma_semaphore, #tpu.memory_space<semaphore_mem>>) src(%dma_wait3A_158 : memref<200x128xi32, #tpu.memory_space<hbm>>) dst(%arg5 : memref<200x128xi32, #tpu.memory_space<vmem>>)
      tpu.yield
    }) : () -> ()
    %dma_start3A = arith.constant 0 : i32
    %dma_start3A_5 = arith.constant 0 : i32
    %dma_start3A_6 = arith.constant 0 : i32
    %dma_start3A_7 = tpu.memref_slice %arg6[%dma_start3A_5, %dma_start3A_6] : memref<512x128xf32, #tpu.memory_space<vmem>> -> memref<128x128xf32, #tpu.memory_space<vmem>>
    %dma_start3A_8 = arith.constant 0 : i32
    %dma_start3A_9 = tpu.memref_slice %arg5[%dma_start3A, %dma_start3A_8] : memref<200x128xi32, #tpu.memory_space<vmem>> -> memref<1x128xi32, #tpu.memory_space<vmem>>
    %dma_start3A_10 = tpu.memref_squeeze %dma_start3A_9 : memref<1x128xi32, #tpu.memory_space<vmem>> -> memref<128xi32, #tpu.memory_space<vmem>>
    %dma_start3A_11 = arith.constant 0 : i32
    %dma_start3A_12 = arith.constant 0 : i32
    %dma_start3A_13 = tpu.memref_slice %arg2[%dma_start3A_11, %dma_start3A_12] : memref<1000000x128xf32, #tpu.memory_space<hbm>> -> memref<1000000x128xf32, #tpu.memory_space<hbm>>
    tpu.enqueue_indirect_dma source(%dma_start3A_13 : memref<1000000x128xf32, #tpu.memory_space<hbm>>) target(%dma_start3A_7 : memref<128x128xf32, #tpu.memory_space<vmem>>) offsets(%dma_start3A_10 : memref<128xi32, #tpu.memory_space<vmem>>) semaphore(%arg7 : memref<!tpu.dma_semaphore, #tpu.memory_space<semaphore_mem>>)
    %dma_start3A_14 = arith.constant 1 : i32
    %dma_start3A_15 = arith.constant 128 : i32
    %dma_start3A_16 = arith.constant 0 : i32
    %dma_start3A_17 = tpu.memref_slice %arg6[%dma_start3A_15, %dma_start3A_16] : memref<512x128xf32, #tpu.memory_space<vmem>> -> memref<128x128xf32, #tpu.memory_space<vmem>>
    %dma_start3A_18 = arith.constant 0 : i32
    %dma_start3A_19 = tpu.memref_slice %arg5[%dma_start3A_14, %dma_start3A_18] : memref<200x128xi32, #tpu.memory_space<vmem>> -> memref<1x128xi32, #tpu.memory_space<vmem>>
    %dma_start3A_20 = tpu.memref_squeeze %dma_start3A_19 : memref<1x128xi32, #tpu.memory_space<vmem>> -> memref<128xi32, #tpu.memory_space<vmem>>
    %dma_start3A_21 = arith.constant 0 : i32
    %dma_start3A_22 = arith.constant 0 : i32
    %dma_start3A_23 = tpu.memref_slice %arg2[%dma_start3A_21, %dma_start3A_22] : memref<1000000x128xf32, #tpu.memory_space<hbm>> -> memref<1000000x128xf32, #tpu.memory_space<hbm>>
    tpu.enqueue_indirect_dma source(%dma_start3A_23 : memref<1000000x128xf32, #tpu.memory_space<hbm>>) target(%dma_start3A_17 : memref<128x128xf32, #tpu.memory_space<vmem>>) offsets(%dma_start3A_20 : memref<128xi32, #tpu.memory_space<vmem>>) semaphore(%arg7 : memref<!tpu.dma_semaphore, #tpu.memory_space<semaphore_mem>>)
    %dma_start3A_24 = arith.constant 2 : i32
    %dma_start3A_25 = arith.constant 256 : i32
    %dma_start3A_26 = arith.constant 0 : i32
    %dma_start3A_27 = tpu.memref_slice %arg6[%dma_start3A_25, %dma_start3A_26] : memref<512x128xf32, #tpu.memory_space<vmem>> -> memref<128x128xf32, #tpu.memory_space<vmem>>
    %dma_start3A_28 = arith.constant 0 : i32
    %dma_start3A_29 = tpu.memref_slice %arg5[%dma_start3A_24, %dma_start3A_28] : memref<200x128xi32, #tpu.memory_space<vmem>> -> memref<1x128xi32, #tpu.memory_space<vmem>>
    %dma_start3A_30 = tpu.memref_squeeze %dma_start3A_29 : memref<1x128xi32, #tpu.memory_space<vmem>> -> memref<128xi32, #tpu.memory_space<vmem>>
    %dma_start3A_31 = arith.constant 0 : i32
    %dma_start3A_32 = arith.constant 0 : i32
    %dma_start3A_33 = tpu.memref_slice %arg2[%dma_start3A_31, %dma_start3A_32] : memref<1000000x128xf32, #tpu.memory_space<hbm>> -> memref<1000000x128xf32, #tpu.memory_space<hbm>>
    tpu.enqueue_indirect_dma source(%dma_start3A_33 : memref<1000000x128xf32, #tpu.memory_space<hbm>>) target(%dma_start3A_27 : memref<128x128xf32, #tpu.memory_space<vmem>>) offsets(%dma_start3A_30 : memref<128xi32, #tpu.memory_space<vmem>>) semaphore(%arg7 : memref<!tpu.dma_semaphore, #tpu.memory_space<semaphore_mem>>)
    %dma_start3A_34 = arith.constant 3 : i32
    %dma_start3A_35 = arith.constant 384 : i32
    %dma_start3A_36 = arith.constant 0 : i32
    %dma_start3A_37 = tpu.memref_slice %arg6[%dma_start3A_35, %dma_start3A_36] : memref<512x128xf32, #tpu.memory_space<vmem>> -> memref<128x128xf32, #tpu.memory_space<vmem>>
    %dma_start3A_38 = arith.constant 0 : i32
    %dma_start3A_39 = tpu.memref_slice %arg5[%dma_start3A_34, %dma_start3A_38] : memref<200x128xi32, #tpu.memory_space<vmem>> -> memref<1x128xi32, #tpu.memory_space<vmem>>
    %dma_start3A_40 = tpu.memref_squeeze %dma_start3A_39 : memref<1x128xi32, #tpu.memory_space<vmem>> -> memref<128xi32, #tpu.memory_space<vmem>>
    %dma_start3A_41 = arith.constant 0 : i32
    %dma_start3A_42 = arith.constant 0 : i32
    %dma_start3A_43 = tpu.memref_slice %arg2[%dma_start3A_41, %dma_start3A_42] : memref<1000000x128xf32, #tpu.memory_space<hbm>> -> memref<1000000x128xf32, #tpu.memory_space<hbm>>
    tpu.enqueue_indirect_dma source(%dma_start3A_43 : memref<1000000x128xf32, #tpu.memory_space<hbm>>) target(%dma_start3A_37 : memref<128x128xf32, #tpu.memory_space<vmem>>) offsets(%dma_start3A_40 : memref<128xi32, #tpu.memory_space<vmem>>) semaphore(%arg7 : memref<!tpu.dma_semaphore, #tpu.memory_space<semaphore_mem>>)
    %dma_wait3A = arith.constant 0 : i32
    %dma_wait3A_44 = arith.constant 0 : i32
    %dma_wait3A_45 = arith.constant 0 : i32
    %dma_wait3A_46 = tpu.memref_slice %arg6[%dma_wait3A_44, %dma_wait3A_45] : memref<512x128xf32, #tpu.memory_space<vmem>> -> memref<128x128xf32, #tpu.memory_space<vmem>>
    %dma_wait3A_47 = arith.constant 0 : i32
    %dma_wait3A_48 = tpu.memref_slice %arg5[%dma_wait3A, %dma_wait3A_47] : memref<200x128xi32, #tpu.memory_space<vmem>> -> memref<1x128xi32, #tpu.memory_space<vmem>>
    %dma_wait3A_49 = tpu.memref_squeeze %dma_wait3A_48 : memref<1x128xi32, #tpu.memory_space<vmem>> -> memref<128xi32, #tpu.memory_space<vmem>>
    %dma_wait3A_50 = arith.constant 0 : i32
    %dma_wait3A_51 = arith.constant 0 : i32
    %dma_wait3A_52 = tpu.memref_slice %arg2[%dma_wait3A_50, %dma_wait3A_51] : memref<1000000x128xf32, #tpu.memory_space<hbm>> -> memref<1000000x128xf32, #tpu.memory_space<hbm>>
    tpu.wait_indirect_dma semaphore(%arg7 : memref<!tpu.dma_semaphore, #tpu.memory_space<semaphore_mem>>) src(%dma_wait3A_52 : memref<1000000x128xf32, #tpu.memory_space<hbm>>) dst(%dma_wait3A_46 : memref<128x128xf32, #tpu.memory_space<vmem>>)
    %dma_wait3A_53 = arith.constant 1 : i32
    %dma_wait3A_54 = arith.constant 128 : i32
    %dma_wait3A_55 = arith.constant 0 : i32
    %dma_wait3A_56 = tpu.memref_slice %arg6[%dma_wait3A_54, %dma_wait3A_55] : memref<512x128xf32, #tpu.memory_space<vmem>> -> memref<128x128xf32, #tpu.memory_space<vmem>>
    %dma_wait3A_57 = arith.constant 0 : i32
    %dma_wait3A_58 = tpu.memref_slice %arg5[%dma_wait3A_53, %dma_wait3A_57] : memref<200x128xi32, #tpu.memory_space<vmem>> -> memref<1x128xi32, #tpu.memory_space<vmem>>
    %dma_wait3A_59 = tpu.memref_squeeze %dma_wait3A_58 : memref<1x128xi32, #tpu.memory_space<vmem>> -> memref<128xi32, #tpu.memory_space<vmem>>
    %dma_wait3A_60 = arith.constant 0 : i32
    %dma_wait3A_61 = arith.constant 0 : i32
    %dma_wait3A_62 = tpu.memref_slice %arg2[%dma_wait3A_60, %dma_wait3A_61] : memref<1000000x128xf32, #tpu.memory_space<hbm>> -> memref<1000000x128xf32, #tpu.memory_space<hbm>>
    tpu.wait_indirect_dma semaphore(%arg7 : memref<!tpu.dma_semaphore, #tpu.memory_space<semaphore_mem>>) src(%dma_wait3A_62 : memref<1000000x128xf32, #tpu.memory_space<hbm>>) dst(%dma_wait3A_56 : memref<128x128xf32, #tpu.memory_space<vmem>>)
    %scan3A = arith.constant 0 : i32
    %scan3A_63 = arith.constant 0 : i32
    %scan3A_64 = arith.constant 256 : i32
    %scan3A_65 = arith.addi %scan3A_63, %scan3A_64 : i32
    %scan3A_66 = arith.constant 4 : i32
    %scan3A_67 = scf.for %scan3A_151 = %scan3A_63 to %scan3A_65 step %scan3A_66 iter_args(%scan3A_152 = %scan3A) -> (i32)  : i32 {
      %add3A_153 = arith.constant 0 : i32
      %add3A_154 = arith.addi %add3A_153, %scan3A_151 : i32
      %get3A = arith.index_cast %add3A_154 : i32 to index
      %get3A_155 = arith.constant 0 : index
      %get3A_156 = tpu.vector_load %arg6[%get3A, %get3A_155] {strides = array<i32>} : memref<512x128xf32, #tpu.memory_space<vmem>>, vector<1x16xf32>,
      %get3A_157 = vector.shape_cast %get3A_156 : vector<1x16xf32> to vector<16xf32>
      %mul3A_158 = arith.constant 8.000000e+00 : f32
      %mul3A_159 = vector.broadcast %mul3A_158 : f32 to vector<16xf32>
      %mul3A_160 = arith.mulf %get3A_157, %mul3A_159 : vector<16xf32>
      %add3A_161 = arith.constant 0 : i32
      %add3A_162 = arith.addi %add3A_161, %scan3A_151 : i32
      %swap3A = arith.index_cast %add3A_162 : i32 to index
      %swap3A_163 = arith.constant 0 : index
      %swap3A_164 = tpu.vector_load %arg6[%swap3A, %swap3A_163] {strides = array<i32>} : memref<512x128xf32, #tpu.memory_space<vmem>>, vector<1x16xf32>,
      %swap3A_165 = vector.shape_cast %swap3A_164 : vector<1x16xf32> to vector<16xf32>
      %swap3A_166 = vector.shape_cast %mul3A_160 : vector<16xf32> to vector<1x16xf32>
      tpu.vector_store %arg6[%swap3A, %swap3A_163], %swap3A_166 {strides = array<i32>} : memref<512x128xf32, #tpu.memory_space<vmem>>, vector<1x16xf32>,
      %add3A_167 = arith.constant 0 : i32
      %add3A_168 = arith.addi %add3A_167, %scan3A_151 : i32
      %get3A_169 = arith.index_cast %add3A_168 : i32 to index
      %get3A_170 = arith.constant 16 : index
      %get3A_171 = tpu.vector_load %arg6[%get3A_169, %get3A_170] {strides = array<i32>} : memref<512x128xf32, #tpu.memory_space<vmem>>, vector<1x16xf32>,
      %get3A_172 = vector.shape_cast %get3A_171 : vector<1x16xf32> to vector<16xf32>
      %mul3A_173 = arith.constant 8.000000e+00 : f32
      %mul3A_174 = vector.broadcast %mul3A_173 : f32 to vector<16xf32>
      %mul3A_175 = arith.mulf %get3A_172, %mul3A_174 : vector<16xf32>
      %add3A_176 = arith.constant 0 : i32
      %add3A_177 = arith.addi %add3A_176, %scan3A_151 : i32
      %swap3A_178 = arith.index_cast %add3A_177 : i32 to index
      %swap3A_179 = arith.constant 16 : index
      %swap3A_180 = tpu.vector_load %arg6[%swap3A_178, %swap3A_179] {strides = array<i32>} : memref<512x128xf32, #tpu.memory_space<vmem>>, vector<1x16xf32>,
      %swap3A_181 = vector.shape_cast %swap3A_180 : vector<1x16xf32> to vector<16xf32>
      %swap3A_182 = vector.shape_cast %mul3A_175 : vector<16xf32> to vector<1x16xf32>
      tpu.vector_store %arg6[%swap3A_178, %swap3A_179], %swap3A_182 {strides = array<i32>} : memref<512x128xf32, #tpu.memory_space<vmem>>, vector<1x16xf32>,
      %add3A_183 = arith.constant 0 : i32
      %add3A_184 = arith.addi %add3A_183, %scan3A_151 : i32
      %get3A_185 = arith.index_cast %add3A_184 : i32 to index
      %get3A_186 = arith.constant 32 : index
      %get3A_187 = tpu.vector_load %arg6[%get3A_185, %get3A_186] {strides = array<i32>} : memref<512x128xf32, #tpu.memory_space<vmem>>, vector<1x16xf32>,
      %get3A_188 = vector.shape_cast %get3A_187 : vector<1x16xf32> to vector<16xf32>
      %mul3A_189 = arith.constant 8.000000e+00 : f32
      %mul3A_190 = vector.broadcast %mul3A_189 : f32 to vector<16xf32>
      %mul3A_191 = arith.mulf %get3A_188, %mul3A_190 : vector<16xf32>
      %add3A_192 = arith.constant 0 : i32
      %add3A_193 = arith.addi %add3A_192, %scan3A_151 : i32
      %swap3A_194 = arith.index_cast %add3A_193 : i32 to index
      %swap3A_195 = arith.constant 32 : index
      %swap3A_196 = tpu.vector_load %arg6[%swap3A_194, %swap3A_195] {strides = array<i32>} : memref<512x128xf32, #tpu.memory_space<vmem>>, vector<1x16xf32>,
      %swap3A_197 = vector.shape_cast %swap3A_196 : vector<1x16xf32> to vector<16xf32>
      %swap3A_198 = vector.shape_cast %mul3A_191 : vector<16xf32> to vector<1x16xf32>
      tpu.vector_store %arg6[%swap3A_194, %swap3A_195], %swap3A_198 {strides = array<i32>} : memref<512x128xf32, #tpu.memory_space<vmem>>, vector<1x16xf32>,
      %add3A_199 = arith.constant 0 : i32
      %add3A_200 = arith.addi %add3A_199, %scan3A_151 : i32
      %get3A_201 = arith.index_cast %add3A_200 : i32 to index
      %get3A_202 = arith.constant 48 : index
      %get3A_203 = tpu.vector_load %arg6[%get3A_201, %get3A_202] {strides = array<i32>} : memref<512x128xf32, #tpu.memory_space<vmem>>, vector<1x16xf32>,
      %get3A_204 = vector.shape_cast %get3A_203 : vector<1x16xf32> to vector<16xf32>
      %mul3A_205 = arith.constant 8.000000e+00 : f32
      %mul3A_206 = vector.broadcast %mul3A_205 : f32 to vector<16xf32>
      %mul3A_207 = arith.mulf %get3A_204, %mul3A_206 : vector<16xf32>
      %add3A_208 = arith.constant 0 : i32
      %add3A_209 = arith.addi %add3A_208, %scan3A_151 : i32
      %swap3A_210 = arith.index_cast %add3A_209 : i32 to index
      %swap3A_211 = arith.constant 48 : index
      %swap3A_212 = tpu.vector_load %arg6[%swap3A_210, %swap3A_211] {strides = array<i32>} : memref<512x128xf32, #tpu.memory_space<vmem>>, vector<1x16xf32>,
      %swap3A_213 = vector.shape_cast %swap3A_212 : vector<1x16xf32> to vector<16xf32>
      %swap3A_214 = vector.shape_cast %mul3A_207 : vector<16xf32> to vector<1x16xf32>
      tpu.vector_store %arg6[%swap3A_210, %swap3A_211], %swap3A_214 {strides = array<i32>} : memref<512x128xf32, #tpu.memory_space<vmem>>, vector<1x16xf32>,
      %scan3A_215 = arith.constant 0 : i32
      %scan3A_216 = arith.constant 1 : i32
      %scan3A_217 = arith.addi %scan3A_151, %scan3A_216 : i32
      %add3A_218 = arith.constant 0 : i32
      %add3A_219 = arith.addi %add3A_218, %scan3A_217 : i32
      %get3A_220 = arith.index_cast %add3A_219 : i32 to index
      %get3A_221 = arith.constant 0 : index
      %get3A_222 = tpu.vector_load %arg6[%get3A_220, %get3A_221] {strides = array<i32>} : memref<512x128xf32, #tpu.memory_space<vmem>>, vector<1x16xf32>,
      %get3A_223 = vector.shape_cast %get3A_222 : vector<1x16xf32> to vector<16xf32>
      %mul3A_224 = arith.constant 8.000000e+00 : f32
      %mul3A_225 = vector.broadcast %mul3A_224 : f32 to vector<16xf32>
      %mul3A_226 = arith.mulf %get3A_223, %mul3A_225 : vector<16xf32>
      %add3A_227 = arith.constant 0 : i32
      %add3A_228 = arith.addi %add3A_227, %scan3A_217 : i32
      %swap3A_229 = arith.index_cast %add3A_228 : i32 to index
      %swap3A_230 = arith.constant 0 : index
      %swap3A_231 = tpu.vector_load %arg6[%swap3A_229, %swap3A_230] {strides = array<i32>} : memref<512x128xf32, #tpu.memory_space<vmem>>, vector<1x16xf32>,
      %swap3A_232 = vector.shape_cast %swap3A_231 : vector<1x16xf32> to vector<16xf32>
      %swap3A_233 = vector.shape_cast %mul3A_226 : vector<16xf32> to vector<1x16xf32>
      tpu.vector_store %arg6[%swap3A_229, %swap3A_230], %swap3A_233 {strides = array<i32>} : memref<512x128xf32, #tpu.memory_space<vmem>>, vector<1x16xf32>,
      %add3A_234 = arith.constant 0 : i32
      %add3A_235 = arith.addi %add3A_234, %scan3A_217 : i32
      %get3A_236 = arith.index_cast %add3A_235 : i32 to index
      %get3A_237 = arith.constant 16 : index
      %get3A_238 = tpu.vector_load %arg6[%get3A_236, %get3A_237] {strides = array<i32>} : memref<512x128xf32, #tpu.memory_space<vmem>>, vector<1x16xf32>,
      %get3A_239 = vector.shape_cast %get3A_238 : vector<1x16xf32> to vector<16xf32>
      %mul3A_240 = arith.constant 8.000000e+00 : f32
      %mul3A_241 = vector.broadcast %mul3A_240 : f32 to vector<16xf32>
      %mul3A_242 = arith.mulf %get3A_239, %mul3A_241 : vector<16xf32>
      %add3A_243 = arith.constant 0 : i32
      %add3A_244 = arith.addi %add3A_243, %scan3A_217 : i32
      %swap3A_245 = arith.index_cast %add3A_244 : i32 to index
      %swap3A_246 = arith.constant 16 : index
      %swap3A_247 = tpu.vector_load %arg6[%swap3A_245, %swap3A_246] {strides = array<i32>} : memref<512x128xf32, #tpu.memory_space<vmem>>, vector<1x16xf32>,
      %swap3A_248 = vector.shape_cast %swap3A_247 : vector<1x16xf32> to vector<16xf32>
      %swap3A_249 = vector.shape_cast %mul3A_242 : vector<16xf32> to vector<1x16xf32>
      tpu.vector_store %arg6[%swap3A_245, %swap3A_246], %swap3A_249 {strides = array<i32>} : memref<512x128xf32, #tpu.memory_space<vmem>>, vector<1x16xf32>,
      %add3A_250 = arith.constant 0 : i32
      %add3A_251 = arith.addi %add3A_250, %scan3A_217 : i32
      %get3A_252 = arith.index_cast %add3A_251 : i32 to index
      %get3A_253 = arith.constant 32 : index
      %get3A_254 = tpu.vector_load %arg6[%get3A_252, %get3A_253] {strides = array<i32>} : memref<512x128xf32, #tpu.memory_space<vmem>>, vector<1x16xf32>,
      %get3A_255 = vector.shape_cast %get3A_254 : vector<1x16xf32> to vector<16xf32>
      %mul3A_256 = arith.constant 8.000000e+00 : f32
      %mul3A_257 = vector.broadcast %mul3A_256 : f32 to vector<16xf32>
      %mul3A_258 = arith.mulf %get3A_255, %mul3A_257 : vector<16xf32>
      %add3A_259 = arith.constant 0 : i32
      %add3A_260 = arith.addi %add3A_259, %scan3A_217 : i32
      %swap3A_261 = arith.index_cast %add3A_260 : i32 to index
      %swap3A_262 = arith.constant 32 : index
      %swap3A_263 = tpu.vector_load %arg6[%swap3A_261, %swap3A_262] {strides = array<i32>} : memref<512x128xf32, #tpu.memory_space<vmem>>, vector<1x16xf32>,
      %swap3A_264 = vector.shape_cast %swap3A_263 : vector<1x16xf32> to vector<16xf32>
      %swap3A_265 = vector.shape_cast %mul3A_258 : vector<16xf32> to vector<1x16xf32>
      tpu.vector_store %arg6[%swap3A_261, %swap3A_262], %swap3A_265 {strides = array<i32>} : memref<512x128xf32, #tpu.memory_space<vmem>>, vector<1x16xf32>,
      %add3A_266 = arith.constant 0 : i32
      %add3A_267 = arith.addi %add3A_266, %scan3A_217 : i32
      %get3A_268 = arith.index_cast %add3A_267 : i32 to index
      %get3A_269 = arith.constant 48 : index
      %get3A_270 = tpu.vector_load %arg6[%get3A_268, %get3A_269] {strides = array<i32>} : memref<512x128xf32, #tpu.memory_space<vmem>>, vector<1x16xf32>,
      %get3A_271 = vector.shape_cast %get3A_270 : vector<1x16xf32> to vector<16xf32>
      %mul3A_272 = arith.constant 8.000000e+00 : f32
      %mul3A_273 = vector.broadcast %mul3A_272 : f32 to vector<16xf32>
      %mul3A_274 = arith.mulf %get3A_271, %mul3A_273 : vector<16xf32>
      %add3A_275 = arith.constant 0 : i32
      %add3A_276 = arith.addi %add3A_275, %scan3A_217 : i32
      %swap3A_277 = arith.index_cast %add3A_276 : i32 to index
      %swap3A_278 = arith.constant 48 : index
      %swap3A_279 = tpu.vector_load %arg6[%swap3A_277, %swap3A_278] {strides = array<i32>} : memref<512x128xf32, #tpu.memory_space<vmem>>, vector<1x16xf32>,
      %swap3A_280 = vector.shape_cast %swap3A_279 : vector<1x16xf32> to vector<16xf32>
      %swap3A_281 = vector.shape_cast %mul3A_274 : vector<16xf32> to vector<1x16xf32>
      tpu.vector_store %arg6[%swap3A_277, %swap3A_278], %swap3A_281 {strides = array<i32>} : memref<512x128xf32, #tpu.memory_space<vmem>>, vector<1x16xf32>,
      %scan3A_282 = arith.constant 0 : i32
      %scan3A_283 = arith.constant 2 : i32
      %scan3A_284 = arith.addi %scan3A_151, %scan3A_283 : i32
      %add3A_285 = arith.constant 0 : i32
      %add3A_286 = arith.addi %add3A_285, %scan3A_284 : i32
      %get3A_287 = arith.index_cast %add3A_286 : i32 to index
      %get3A_288 = arith.constant 0 : index
      %get3A_289 = tpu.vector_load %arg6[%get3A_287, %get3A_288] {strides = array<i32>} : memref<512x128xf32, #tpu.memory_space<vmem>>, vector<1x16xf32>,
      %get3A_290 = vector.shape_cast %get3A_289 : vector<1x16xf32> to vector<16xf32>
      %mul3A_291 = arith.constant 8.000000e+00 : f32
      %mul3A_292 = vector.broadcast %mul3A_291 : f32 to vector<16xf32>
      %mul3A_293 = arith.mulf %get3A_290, %mul3A_292 : vector<16xf32>
      %add3A_294 = arith.constant 0 : i32
      %add3A_295 = arith.addi %add3A_294, %scan3A_284 : i32
      %swap3A_296 = arith.index_cast %add3A_295 : i32 to index
      %swap3A_297 = arith.constant 0 : index
      %swap3A_298 = tpu.vector_load %arg6[%swap3A_296, %swap3A_297] {strides = array<i32>} : memref<512x128xf32, #tpu.memory_space<vmem>>, vector<1x16xf32>,
      %swap3A_299 = vector.shape_cast %swap3A_298 : vector<1x16xf32> to vector<16xf32>
      %swap3A_300 = vector.shape_cast %mul3A_293 : vector<16xf32> to vector<1x16xf32>
      tpu.vector_store %arg6[%swap3A_296, %swap3A_297], %swap3A_300 {strides = array<i32>} : memref<512x128xf32, #tpu.memory_space<vmem>>, vector<1x16xf32>,
      %add3A_301 = arith.constant 0 : i32
      %add3A_302 = arith.addi %add3A_301, %scan3A_284 : i32
      %get3A_303 = arith.index_cast %add3A_302 : i32 to index
      %get3A_304 = arith.constant 16 : index
      %get3A_305 = tpu.vector_load %arg6[%get3A_303, %get3A_304] {strides = array<i32>} : memref<512x128xf32, #tpu.memory_space<vmem>>, vector<1x16xf32>,
      %get3A_306 = vector.shape_cast %get3A_305 : vector<1x16xf32> to vector<16xf32>
      %mul3A_307 = arith.constant 8.000000e+00 : f32
      %mul3A_308 = vector.broadcast %mul3A_307 : f32 to vector<16xf32>
      %mul3A_309 = arith.mulf %get3A_306, %mul3A_308 : vector<16xf32>
      %add3A_310 = arith.constant 0 : i32
      %add3A_311 = arith.addi %add3A_310, %scan3A_284 : i32
      %swap3A_312 = arith.index_cast %add3A_311 : i32 to index
      %swap3A_313 = arith.constant 16 : index
      %swap3A_314 = tpu.vector_load %arg6[%swap3A_312, %swap3A_313] {strides = array<i32>} : memref<512x128xf32, #tpu.memory_space<vmem>>, vector<1x16xf32>,
      %swap3A_315 = vector.shape_cast %swap3A_314 : vector<1x16xf32> to vector<16xf32>
      %swap3A_316 = vector.shape_cast %mul3A_309 : vector<16xf32> to vector<1x16xf32>
      tpu.vector_store %arg6[%swap3A_312, %swap3A_313], %swap3A_316 {strides = array<i32>} : memref<512x128xf32, #tpu.memory_space<vmem>>, vector<1x16xf32>,
      %add3A_317 = arith.constant 0 : i32
      %add3A_318 = arith.addi %add3A_317, %scan3A_284 : i32
      %get3A_319 = arith.index_cast %add3A_318 : i32 to index
      %get3A_320 = arith.constant 32 : index
      %get3A_321 = tpu.vector_load %arg6[%get3A_319, %get3A_320] {strides = array<i32>} : memref<512x128xf32, #tpu.memory_space<vmem>>, vector<1x16xf32>,
      %get3A_322 = vector.shape_cast %get3A_321 : vector<1x16xf32> to vector<16xf32>
      %mul3A_323 = arith.constant 8.000000e+00 : f32
      %mul3A_324 = vector.broadcast %mul3A_323 : f32 to vector<16xf32>
      %mul3A_325 = arith.mulf %get3A_322, %mul3A_324 : vector<16xf32>
      %add3A_326 = arith.constant 0 : i32
      %add3A_327 = arith.addi %add3A_326, %scan3A_284 : i32
      %swap3A_328 = arith.index_cast %add3A_327 : i32 to index
      %swap3A_329 = arith.constant 32 : index
      %swap3A_330 = tpu.vector_load %arg6[%swap3A_328, %swap3A_329] {strides = array<i32>} : memref<512x128xf32, #tpu.memory_space<vmem>>, vector<1x16xf32>,
      %swap3A_331 = vector.shape_cast %swap3A_330 : vector<1x16xf32> to vector<16xf32>
      %swap3A_332 = vector.shape_cast %mul3A_325 : vector<16xf32> to vector<1x16xf32>
      tpu.vector_store %arg6[%swap3A_328, %swap3A_329], %swap3A_332 {strides = array<i32>} : memref<512x128xf32, #tpu.memory_space<vmem>>, vector<1x16xf32>,
      %add3A_333 = arith.constant 0 : i32
      %add3A_334 = arith.addi %add3A_333, %scan3A_284 : i32
      %get3A_335 = arith.index_cast %add3A_334 : i32 to index
      %get3A_336 = arith.constant 48 : index
      %get3A_337 = tpu.vector_load %arg6[%get3A_335, %get3A_336] {strides = array<i32>} : memref<512x128xf32, #tpu.memory_space<vmem>>, vector<1x16xf32>,
      %get3A_338 = vector.shape_cast %get3A_337 : vector<1x16xf32> to vector<16xf32>
      %mul3A_339 = arith.constant 8.000000e+00 : f32
      %mul3A_340 = vector.broadcast %mul3A_339 : f32 to vector<16xf32>
      %mul3A_341 = arith.mulf %get3A_338, %mul3A_340 : vector<16xf32>
      %add3A_342 = arith.constant 0 : i32
      %add3A_343 = arith.addi %add3A_342, %scan3A_284 : i32
      %swap3A_344 = arith.index_cast %add3A_343 : i32 to index
      %swap3A_345 = arith.constant 48 : index
      %swap3A_346 = tpu.vector_load %arg6[%swap3A_344, %swap3A_345] {strides = array<i32>} : memref<512x128xf32, #tpu.memory_space<vmem>>, vector<1x16xf32>,
      %swap3A_347 = vector.shape_cast %swap3A_346 : vector<1x16xf32> to vector<16xf32>
      %swap3A_348 = vector.shape_cast %mul3A_341 : vector<16xf32> to vector<1x16xf32>
      tpu.vector_store %arg6[%swap3A_344, %swap3A_345], %swap3A_348 {strides = array<i32>} : memref<512x128xf32, #tpu.memory_space<vmem>>, vector<1x16xf32>,
      %scan3A_349 = arith.constant 0 : i32
      %scan3A_350 = arith.constant 3 : i32
      %scan3A_351 = arith.addi %scan3A_151, %scan3A_350 : i32
      %add3A_352 = arith.constant 0 : i32
      %add3A_353 = arith.addi %add3A_352, %scan3A_351 : i32
      %get3A_354 = arith.index_cast %add3A_353 : i32 to index
      %get3A_355 = arith.constant 0 : index
      %get3A_356 = tpu.vector_load %arg6[%get3A_354, %get3A_355] {strides = array<i32>} : memref<512x128xf32, #tpu.memory_space<vmem>>, vector<1x16xf32>,
      %get3A_357 = vector.shape_cast %get3A_356 : vector<1x16xf32> to vector<16xf32>
      %mul3A_358 = arith.constant 8.000000e+00 : f32
      %mul3A_359 = vector.broadcast %mul3A_358 : f32 to vector<16xf32>
      %mul3A_360 = arith.mulf %get3A_357, %mul3A_359 : vector<16xf32>
      %add3A_361 = arith.constant 0 : i32
      %add3A_362 = arith.addi %add3A_361, %scan3A_351 : i32
      %swap3A_363 = arith.index_cast %add3A_362 : i32 to index
      %swap3A_364 = arith.constant 0 : index
      %swap3A_365 = tpu.vector_load %arg6[%swap3A_363, %swap3A_364] {strides = array<i32>} : memref<512x128xf32, #tpu.memory_space<vmem>>, vector<1x16xf32>,
      %swap3A_366 = vector.shape_cast %swap3A_365 : vector<1x16xf32> to vector<16xf32>
      %swap3A_367 = vector.shape_cast %mul3A_360 : vector<16xf32> to vector<1x16xf32>
      tpu.vector_store %arg6[%swap3A_363, %swap3A_364], %swap3A_367 {strides = array<i32>} : memref<512x128xf32, #tpu.memory_space<vmem>>, vector<1x16xf32>,
      %add3A_368 = arith.constant 0 : i32
      %add3A_369 = arith.addi %add3A_368, %scan3A_351 : i32
      %get3A_370 = arith.index_cast %add3A_369 : i32 to index
      %get3A_371 = arith.constant 16 : index
      %get3A_372 = tpu.vector_load %arg6[%get3A_370, %get3A_371] {strides = array<i32>} : memref<512x128xf32, #tpu.memory_space<vmem>>, vector<1x16xf32>,
      %get3A_373 = vector.shape_cast %get3A_372 : vector<1x16xf32> to vector<16xf32>
      %mul3A_374 = arith.constant 8.000000e+00 : f32
      %mul3A_375 = vector.broadcast %mul3A_374 : f32 to vector<16xf32>
      %mul3A_376 = arith.mulf %get3A_373, %mul3A_375 : vector<16xf32>
      %add3A_377 = arith.constant 0 : i32
      %add3A_378 = arith.addi %add3A_377, %scan3A_351 : i32
      %swap3A_379 = arith.index_cast %add3A_378 : i32 to index
      %swap3A_380 = arith.constant 16 : index
      %swap3A_381 = tpu.vector_load %arg6[%swap3A_379, %swap3A_380] {strides = array<i32>} : memref<512x128xf32, #tpu.memory_space<vmem>>, vector<1x16xf32>,
      %swap3A_382 = vector.shape_cast %swap3A_381 : vector<1x16xf32> to vector<16xf32>
      %swap3A_383 = vector.shape_cast %mul3A_376 : vector<16xf32> to vector<1x16xf32>
      tpu.vector_store %arg6[%swap3A_379, %swap3A_380], %swap3A_383 {strides = array<i32>} : memref<512x128xf32, #tpu.memory_space<vmem>>, vector<1x16xf32>,
      %add3A_384 = arith.constant 0 : i32
      %add3A_385 = arith.addi %add3A_384, %scan3A_351 : i32
      %get3A_386 = arith.index_cast %add3A_385 : i32 to index
      %get3A_387 = arith.constant 32 : index
      %get3A_388 = tpu.vector_load %arg6[%get3A_386, %get3A_387] {strides = array<i32>} : memref<512x128xf32, #tpu.memory_space<vmem>>, vector<1x16xf32>,
      %get3A_389 = vector.shape_cast %get3A_388 : vector<1x16xf32> to vector<16xf32>
      %mul3A_390 = arith.constant 8.000000e+00 : f32
      %mul3A_391 = vector.broadcast %mul3A_390 : f32 to vector<16xf32>
      %mul3A_392 = arith.mulf %get3A_389, %mul3A_391 : vector<16xf32>
      %add3A_393 = arith.constant 0 : i32
      %add3A_394 = arith.addi %add3A_393, %scan3A_351 : i32
      %swap3A_395 = arith.index_cast %add3A_394 : i32 to index
      %swap3A_396 = arith.constant 32 : index
      %swap3A_397 = tpu.vector_load %arg6[%swap3A_395, %swap3A_396] {strides = array<i32>} : memref<512x128xf32, #tpu.memory_space<vmem>>, vector<1x16xf32>,
      %swap3A_398 = vector.shape_cast %swap3A_397 : vector<1x16xf32> to vector<16xf32>
      %swap3A_399 = vector.shape_cast %mul3A_392 : vector<16xf32> to vector<1x16xf32>
      tpu.vector_store %arg6[%swap3A_395, %swap3A_396], %swap3A_399 {strides = array<i32>} : memref<512x128xf32, #tpu.memory_space<vmem>>, vector<1x16xf32>,
      %add3A_400 = arith.constant 0 : i32
      %add3A_401 = arith.addi %add3A_400, %scan3A_351 : i32
      %get3A_402 = arith.index_cast %add3A_401 : i32 to index
      %get3A_403 = arith.constant 48 : index
      %get3A_404 = tpu.vector_load %arg6[%get3A_402, %get3A_403] {strides = array<i32>} : memref<512x128xf32, #tpu.memory_space<vmem>>, vector<1x16xf32>,
      %get3A_405 = vector.shape_cast %get3A_404 : vector<1x16xf32> to vector<16xf32>
      %mul3A_406 = arith.constant 8.000000e+00 : f32
      %mul3A_407 = vector.broadcast %mul3A_406 : f32 to vector<16xf32>
      %mul3A_408 = arith.mulf %get3A_405, %mul3A_407 : vector<16xf32>
      %add3A_409 = arith.constant 0 : i32
      %add3A_410 = arith.addi %add3A_409, %scan3A_351 : i32
      %swap3A_411 = arith.index_cast %add3A_410 : i32 to index
      %swap3A_412 = arith.constant 48 : index
      %swap3A_413 = tpu.vector_load %arg6[%swap3A_411, %swap3A_412] {strides = array<i32>} : memref<512x128xf32, #tpu.memory_space<vmem>>, vector<1x16xf32>,
      %swap3A_414 = vector.shape_cast %swap3A_413 : vector<1x16xf32> to vector<16xf32>
      %swap3A_415 = vector.shape_cast %mul3A_408 : vector<16xf32> to vector<1x16xf32>
      tpu.vector_store %arg6[%swap3A_411, %swap3A_412], %swap3A_415 {strides = array<i32>} : memref<512x128xf32, #tpu.memory_space<vmem>>, vector<1x16xf32>,
      %scan3A_416 = arith.constant 0 : i32
      scf.yield %scan3A_416 : i32
    }
    %scan3A_68 = arith.constant 256 : i32
    %add3A_69 = arith.constant 0 : i32
    %add3A_70 = arith.addi %mul3A_4, %add3A_69 : i32
    %dma_start3A_71 = arith.constant 0 : i32
    %dma_start3A_72 = arith.constant 0 : i32
    %dma_start3A_73 = tpu.memref_slice %arg6[%dma_start3A_71, %dma_start3A_72] : memref<512x128xf32, #tpu.memory_space<vmem>> -> memref<256x128xf32, #tpu.memory_space<vmem>>
    %dma_start3A_74 = arith.constant 0 : i32
    %dma_start3A_75 = tpu.memref_slice %arg4[%add3A_70, %dma_start3A_74] : memref<819200x128xf32, #tpu.memory_space<hbm>> -> memref<256x128xf32, #tpu.memory_space<hbm>>
    %dma_start3A_76 = arith.constant 0 : i32
    %dma_start3A_77 = tpu.memref_slice %arg4[%add3A_70, %dma_start3A_76] : memref<819200x128xf32, #tpu.memory_space<hbm>> -> memref<256x128xf32, #tpu.memory_space<hbm>>
    %dma_start3A_78 = arith.constant 0 : i32
    %dma_start3A_79 = arith.constant 0 : i32
    %dma_start3A_80 = tpu.memref_slice %arg6[%dma_start3A_78, %dma_start3A_79] : memref<512x128xf32, #tpu.memory_space<vmem>> -> memref<256x128xf32, #tpu.memory_space<vmem>>
    tpu.enqueue_dma source(%dma_start3A_80 : memref<256x128xf32, #tpu.memory_space<vmem>>) target(%dma_start3A_77 : memref<256x128xf32, #tpu.memory_space<hbm>>) target_semaphore(%arg8 : memref<!tpu.dma_semaphore, #tpu.memory_space<semaphore_mem>>)
    %scan3A_81 = arith.constant 0 : i32
    %scan3A_82 = arith.constant 1 : i32
    %scan3A_83 = arith.constant 98 : i32
    %scan3A_84 = arith.addi %scan3A_82, %scan3A_83 : i32
    %scan3A_85 = arith.constant 1 : i32
    %scan3A_86 = scf.for %scan3A_151 = %scan3A_82 to %scan3A_84 step %scan3A_85 iter_args(%scan3A_152 = %scan3A_81) -> (i32)  : i32 {
      %rem3A = arith.constant 2 : i32
      %rem3A_153 = arith.remsi %scan3A_151, %rem3A : i32
      %sub3A = arith.constant 1 : i32
      %sub3A_154 = arith.subi %sub3A, %rem3A_153 : i32
      %sub3A_155 = arith.constant 1 : i32
      %sub3A_156 = arith.subi %scan3A_151, %sub3A_155 : i32
      %mul3A_157 = arith.constant 256 : i32
      %mul3A_158 = arith.muli %sub3A_154, %mul3A_157 : i32
      %mul3A_159 = arith.constant 256 : i32
      %mul3A_160 = arith.muli %sub3A_156, %mul3A_159 : i32
      %add3A_161 = arith.addi %mul3A_4, %mul3A_160 : i32
      %dma_wait3A_162 = arith.constant 0 : i32
      %dma_wait3A_163 = tpu.memref_slice %arg6[%mul3A_158, %dma_wait3A_162] : memref<512x128xf32, #tpu.memory_space<vmem>> -> memref<256x128xf32, #tpu.memory_space<vmem>>
      %dma_wait3A_164 = arith.constant 0 : i32
      %dma_wait3A_165 = tpu.memref_slice %arg4[%add3A_161, %dma_wait3A_164] : memref<819200x128xf32, #tpu.memory_space<hbm>> -> memref<256x128xf32, #tpu.memory_space<hbm>>
      %dma_wait3A_166 = arith.constant 0 : i32
      %dma_wait3A_167 = tpu.memref_slice %arg4[%add3A_161, %dma_wait3A_166] : memref<819200x128xf32, #tpu.memory_space<hbm>> -> memref<256x128xf32, #tpu.memory_space<hbm>>
      %dma_wait3A_168 = arith.constant 0 : i32
      %dma_wait3A_169 = tpu.memref_slice %arg6[%mul3A_158, %dma_wait3A_168] : memref<512x128xf32, #tpu.memory_space<vmem>> -> memref<256x128xf32, #tpu.memory_space<vmem>>
      tpu.wait_dma2 semaphore(%arg8 : memref<!tpu.dma_semaphore, #tpu.memory_space<semaphore_mem>>) src(%dma_wait3A_169 : memref<256x128xf32, #tpu.memory_space<vmem>>) dst(%dma_wait3A_167 : memref<256x128xf32, #tpu.memory_space<hbm>>)
      %add3A_170 = arith.constant 1 : i32
      %add3A_171 = arith.addi %scan3A_151, %add3A_170 : i32
      %mul3A_172 = arith.constant 2 : i32
      %mul3A_173 = arith.muli %add3A_171, %mul3A_172 : i32
      %add3A_174 = arith.constant 0 : i32
      %add3A_175 = arith.addi %mul3A_173, %add3A_174 : i32
      %mul3A_176 = arith.constant 256 : i32
      %mul3A_177 = arith.muli %sub3A_154, %mul3A_176 : i32
      %add3A_178 = arith.constant 0 : i32
      %add3A_179 = arith.addi %mul3A_177, %add3A_178 : i32
      %dma_start3A_180 = arith.constant 0 : i32
      %dma_start3A_181 = tpu.memref_slice %arg6[%add3A_179, %dma_start3A_180] : memref<512x128xf32, #tpu.memory_space<vmem>> -> memref<128x128xf32, #tpu.memory_space<vmem>>
      %dma_start3A_182 = arith.constant 0 : i32
      %dma_start3A_183 = tpu.memref_slice %arg5[%add3A_175, %dma_start3A_182] : memref<200x128xi32, #tpu.memory_space<vmem>> -> memref<1x128xi32, #tpu.memory_space<vmem>>
      %dma_start3A_184 = tpu.memref_squeeze %dma_start3A_183 : memref<1x128xi32, #tpu.memory_space<vmem>> -> memref<128xi32, #tpu.memory_space<vmem>>
      %dma_start3A_185 = arith.constant 0 : i32
      %dma_start3A_186 = arith.constant 0 : i32
      %dma_start3A_187 = tpu.memref_slice %arg2[%dma_start3A_185, %dma_start3A_186] : memref<1000000x128xf32, #tpu.memory_space<hbm>> -> memref<1000000x128xf32, #tpu.memory_space<hbm>>
      tpu.enqueue_indirect_dma source(%dma_start3A_187 : memref<1000000x128xf32, #tpu.memory_space<hbm>>) target(%dma_start3A_181 : memref<128x128xf32, #tpu.memory_space<vmem>>) offsets(%dma_start3A_184 : memref<128xi32, #tpu.memory_space<vmem>>) semaphore(%arg7 : memref<!tpu.dma_semaphore, #tpu.memory_space<semaphore_mem>>)
      %mul3A_188 = arith.constant 2 : i32
      %mul3A_189 = arith.muli %add3A_171, %mul3A_188 : i32
      %add3A_190 = arith.constant 1 : i32
      %add3A_191 = arith.addi %mul3A_189, %add3A_190 : i32
      %mul3A_192 = arith.constant 256 : i32
      %mul3A_193 = arith.muli %sub3A_154, %mul3A_192 : i32
      %add3A_194 = arith.constant 128 : i32
      %add3A_195 = arith.addi %mul3A_193, %add3A_194 : i32
      %dma_start3A_196 = arith.constant 0 : i32
      %dma_start3A_197 = tpu.memref_slice %arg6[%add3A_195, %dma_start3A_196] : memref<512x128xf32, #tpu.memory_space<vmem>> -> memref<128x128xf32, #tpu.memory_space<vmem>>
      %dma_start3A_198 = arith.constant 0 : i32
      %dma_start3A_199 = tpu.memref_slice %arg5[%add3A_191, %dma_start3A_198] : memref<200x128xi32, #tpu.memory_space<vmem>> -> memref<1x128xi32, #tpu.memory_space<vmem>>
      %dma_start3A_200 = tpu.memref_squeeze %dma_start3A_199 : memref<1x128xi32, #tpu.memory_space<vmem>> -> memref<128xi32, #tpu.memory_space<vmem>>
      %dma_start3A_201 = arith.constant 0 : i32
      %dma_start3A_202 = arith.constant 0 : i32
      %dma_start3A_203 = tpu.memref_slice %arg2[%dma_start3A_201, %dma_start3A_202] : memref<1000000x128xf32, #tpu.memory_space<hbm>> -> memref<1000000x128xf32, #tpu.memory_space<hbm>>
      tpu.enqueue_indirect_dma source(%dma_start3A_203 : memref<1000000x128xf32, #tpu.memory_space<hbm>>) target(%dma_start3A_197 : memref<128x128xf32, #tpu.memory_space<vmem>>) offsets(%dma_start3A_200 : memref<128xi32, #tpu.memory_space<vmem>>) semaphore(%arg7 : memref<!tpu.dma_semaphore, #tpu.memory_space<semaphore_mem>>)
      %mul3A_204 = arith.constant 2 : i32
      %mul3A_205 = arith.muli %scan3A_151, %mul3A_204 : i32
      %add3A_206 = arith.constant 0 : i32
      %add3A_207 = arith.addi %mul3A_205, %add3A_206 : i32
      %mul3A_208 = arith.constant 256 : i32
      %mul3A_209 = arith.muli %rem3A_153, %mul3A_208 : i32
      %add3A_210 = arith.constant 0 : i32
      %add3A_211 = arith.addi %mul3A_209, %add3A_210 : i32
      %dma_wait3A_212 = arith.constant 0 : i32
      %dma_wait3A_213 = tpu.memref_slice %arg6[%add3A_211, %dma_wait3A_212] : memref<512x128xf32, #tpu.memory_space<vmem>> -> memref<128x128xf32, #tpu.memory_space<vmem>>
      %dma_wait3A_214 = arith.constant 0 : i32
      %dma_wait3A_215 = tpu.memref_slice %arg5[%add3A_207, %dma_wait3A_214] : memref<200x128xi32, #tpu.memory_space<vmem>> -> memref<1x128xi32, #tpu.memory_space<vmem>>
      %dma_wait3A_216 = tpu.memref_squeeze %dma_wait3A_215 : memref<1x128xi32, #tpu.memory_space<vmem>> -> memref<128xi32, #tpu.memory_space<vmem>>
      %dma_wait3A_217 = arith.constant 0 : i32
      %dma_wait3A_218 = arith.constant 0 : i32
      %dma_wait3A_219 = tpu.memref_slice %arg2[%dma_wait3A_217, %dma_wait3A_218] : memref<1000000x128xf32, #tpu.memory_space<hbm>> -> memref<1000000x128xf32, #tpu.memory_space<hbm>>
      tpu.wait_indirect_dma semaphore(%arg7 : memref<!tpu.dma_semaphore, #tpu.memory_space<semaphore_mem>>) src(%dma_wait3A_219 : memref<1000000x128xf32, #tpu.memory_space<hbm>>) dst(%dma_wait3A_213 : memref<128x128xf32, #tpu.memory_space<vmem>>)
      %mul3A_220 = arith.constant 2 : i32
      %mul3A_221 = arith.muli %scan3A_151, %mul3A_220 : i32
      %add3A_222 = arith.constant 1 : i32
      %add3A_223 = arith.addi %mul3A_221, %add3A_222 : i32
      %mul3A_224 = arith.constant 256 : i32
      %mul3A_225 = arith.muli %rem3A_153, %mul3A_224 : i32
      %add3A_226 = arith.constant 128 : i32
      %add3A_227 = arith.addi %mul3A_225, %add3A_226 : i32
      %dma_wait3A_228 = arith.constant 0 : i32
      %dma_wait3A_229 = tpu.memref_slice %arg6[%add3A_227, %dma_wait3A_228] : memref<512x128xf32, #tpu.memory_space<vmem>> -> memref<128x128xf32, #tpu.memory_space<vmem>>
      %dma_wait3A_230 = arith.constant 0 : i32
      %dma_wait3A_231 = tpu.memref_slice %arg5[%add3A_223, %dma_wait3A_230] : memref<200x128xi32, #tpu.memory_space<vmem>> -> memref<1x128xi32, #tpu.memory_space<vmem>>
      %dma_wait3A_232 = tpu.memref_squeeze %dma_wait3A_231 : memref<1x128xi32, #tpu.memory_space<vmem>> -> memref<128xi32, #tpu.memory_space<vmem>>
      %dma_wait3A_233 = arith.constant 0 : i32
      %dma_wait3A_234 = arith.constant 0 : i32
      %dma_wait3A_235 = tpu.memref_slice %arg2[%dma_wait3A_233, %dma_wait3A_234] : memref<1000000x128xf32, #tpu.memory_space<hbm>> -> memref<1000000x128xf32, #tpu.memory_space<hbm>>
      tpu.wait_indirect_dma semaphore(%arg7 : memref<!tpu.dma_semaphore, #tpu.memory_space<semaphore_mem>>) src(%dma_wait3A_235 : memref<1000000x128xf32, #tpu.memory_space<hbm>>) dst(%dma_wait3A_229 : memref<128x128xf32, #tpu.memory_space<vmem>>)
      %mul3A_236 = arith.constant 256 : i32
      %mul3A_237 = arith.muli %rem3A_153, %mul3A_236 : i32
      %scan3A_238 = arith.constant 0 : i32
      %scan3A_239 = arith.constant 0 : i32
      %scan3A_240 = arith.constant 256 : i32
      %scan3A_241 = arith.addi %scan3A_239, %scan3A_240 : i32
      %scan3A_242 = arith.constant 4 : i32
      %scan3A_243 = scf.for %scan3A_259 = %scan3A_239 to %scan3A_241 step %scan3A_242 iter_args(%scan3A_260 = %scan3A_238) -> (i32)  : i32 {
        %add3A_261 = arith.addi %mul3A_237, %scan3A_259 : i32
        %get3A = arith.index_cast %add3A_261 : i32 to index
        %get3A_262 = arith.constant 0 : index
        %get3A_263 = tpu.vector_load %arg6[%get3A, %get3A_262] {strides = array<i32>} : memref<512x128xf32, #tpu.memory_space<vmem>>, vector<1x16xf32>,
        %get3A_264 = vector.shape_cast %get3A_263 : vector<1x16xf32> to vector<16xf32>
        %mul3A_265 = arith.constant 8.000000e+00 : f32
        %mul3A_266 = vector.broadcast %mul3A_265 : f32 to vector<16xf32>
        %mul3A_267 = arith.mulf %get3A_264, %mul3A_266 : vector<16xf32>
        %add3A_268 = arith.addi %mul3A_237, %scan3A_259 : i32
        %swap3A = arith.index_cast %add3A_268 : i32 to index
        %swap3A_269 = arith.constant 0 : index
        %swap3A_270 = tpu.vector_load %arg6[%swap3A, %swap3A_269] {strides = array<i32>} : memref<512x128xf32, #tpu.memory_space<vmem>>, vector<1x16xf32>,
        %swap3A_271 = vector.shape_cast %swap3A_270 : vector<1x16xf32> to vector<16xf32>
        %swap3A_272 = vector.shape_cast %mul3A_267 : vector<16xf32> to vector<1x16xf32>
        tpu.vector_store %arg6[%swap3A, %swap3A_269], %swap3A_272 {strides = array<i32>} : memref<512x128xf32, #tpu.memory_space<vmem>>, vector<1x16xf32>,
        %add3A_273 = arith.addi %mul3A_237, %scan3A_259 : i32
        %get3A_274 = arith.index_cast %add3A_273 : i32 to index
        %get3A_275 = arith.constant 16 : index
        %get3A_276 = tpu.vector_load %arg6[%get3A_274, %get3A_275] {strides = array<i32>} : memref<512x128xf32, #tpu.memory_space<vmem>>, vector<1x16xf32>,
        %get3A_277 = vector.shape_cast %get3A_276 : vector<1x16xf32> to vector<16xf32>
        %mul3A_278 = arith.constant 8.000000e+00 : f32
        %mul3A_279 = vector.broadcast %mul3A_278 : f32 to vector<16xf32>
        %mul3A_280 = arith.mulf %get3A_277, %mul3A_279 : vector<16xf32>
        %add3A_281 = arith.addi %mul3A_237, %scan3A_259 : i32
        %swap3A_282 = arith.index_cast %add3A_281 : i32 to index
        %swap3A_283 = arith.constant 16 : index
        %swap3A_284 = tpu.vector_load %arg6[%swap3A_282, %swap3A_283] {strides = array<i32>} : memref<512x128xf32, #tpu.memory_space<vmem>>, vector<1x16xf32>,
        %swap3A_285 = vector.shape_cast %swap3A_284 : vector<1x16xf32> to vector<16xf32>
        %swap3A_286 = vector.shape_cast %mul3A_280 : vector<16xf32> to vector<1x16xf32>
        tpu.vector_store %arg6[%swap3A_282, %swap3A_283], %swap3A_286 {strides = array<i32>} : memref<512x128xf32, #tpu.memory_space<vmem>>, vector<1x16xf32>,
        %add3A_287 = arith.addi %mul3A_237, %scan3A_259 : i32
        %get3A_288 = arith.index_cast %add3A_287 : i32 to index
        %get3A_289 = arith.constant 32 : index
        %get3A_290 = tpu.vector_load %arg6[%get3A_288, %get3A_289] {strides = array<i32>} : memref<512x128xf32, #tpu.memory_space<vmem>>, vector<1x16xf32>,
        %get3A_291 = vector.shape_cast %get3A_290 : vector<1x16xf32> to vector<16xf32>
        %mul3A_292 = arith.constant 8.000000e+00 : f32
        %mul3A_293 = vector.broadcast %mul3A_292 : f32 to vector<16xf32>
        %mul3A_294 = arith.mulf %get3A_291, %mul3A_293 : vector<16xf32>
        %add3A_295 = arith.addi %mul3A_237, %scan3A_259 : i32
        %swap3A_296 = arith.index_cast %add3A_295 : i32 to index
        %swap3A_297 = arith.constant 32 : index
        %swap3A_298 = tpu.vector_load %arg6[%swap3A_296, %swap3A_297] {strides = array<i32>} : memref<512x128xf32, #tpu.memory_space<vmem>>, vector<1x16xf32>,
        %swap3A_299 = vector.shape_cast %swap3A_298 : vector<1x16xf32> to vector<16xf32>
        %swap3A_300 = vector.shape_cast %mul3A_294 : vector<16xf32> to vector<1x16xf32>
        tpu.vector_store %arg6[%swap3A_296, %swap3A_297], %swap3A_300 {strides = array<i32>} : memref<512x128xf32, #tpu.memory_space<vmem>>, vector<1x16xf32>,
        %add3A_301 = arith.addi %mul3A_237, %scan3A_259 : i32
        %get3A_302 = arith.index_cast %add3A_301 : i32 to index
        %get3A_303 = arith.constant 48 : index
        %get3A_304 = tpu.vector_load %arg6[%get3A_302, %get3A_303] {strides = array<i32>} : memref<512x128xf32, #tpu.memory_space<vmem>>, vector<1x16xf32>,
        %get3A_305 = vector.shape_cast %get3A_304 : vector<1x16xf32> to vector<16xf32>
        %mul3A_306 = arith.constant 8.000000e+00 : f32
        %mul3A_307 = vector.broadcast %mul3A_306 : f32 to vector<16xf32>
        %mul3A_308 = arith.mulf %get3A_305, %mul3A_307 : vector<16xf32>
        %add3A_309 = arith.addi %mul3A_237, %scan3A_259 : i32
        %swap3A_310 = arith.index_cast %add3A_309 : i32 to index
        %swap3A_311 = arith.constant 48 : index
        %swap3A_312 = tpu.vector_load %arg6[%swap3A_310, %swap3A_311] {strides = array<i32>} : memref<512x128xf32, #tpu.memory_space<vmem>>, vector<1x16xf32>,
        %swap3A_313 = vector.shape_cast %swap3A_312 : vector<1x16xf32> to vector<16xf32>
        %swap3A_314 = vector.shape_cast %mul3A_308 : vector<16xf32> to vector<1x16xf32>
        tpu.vector_store %arg6[%swap3A_310, %swap3A_311], %swap3A_314 {strides = array<i32>} : memref<512x128xf32, #tpu.memory_space<vmem>>, vector<1x16xf32>,
        %scan3A_315 = arith.constant 0 : i32
        %scan3A_316 = arith.constant 1 : i32
        %scan3A_317 = arith.addi %scan3A_259, %scan3A_316 : i32
        %add3A_318 = arith.addi %mul3A_237, %scan3A_317 : i32
        %get3A_319 = arith.index_cast %add3A_318 : i32 to index
        %get3A_320 = arith.constant 0 : index
        %get3A_321 = tpu.vector_load %arg6[%get3A_319, %get3A_320] {strides = array<i32>} : memref<512x128xf32, #tpu.memory_space<vmem>>, vector<1x16xf32>,
        %get3A_322 = vector.shape_cast %get3A_321 : vector<1x16xf32> to vector<16xf32>
        %mul3A_323 = arith.constant 8.000000e+00 : f32
        %mul3A_324 = vector.broadcast %mul3A_323 : f32 to vector<16xf32>
        %mul3A_325 = arith.mulf %get3A_322, %mul3A_324 : vector<16xf32>
        %add3A_326 = arith.addi %mul3A_237, %scan3A_317 : i32
        %swap3A_327 = arith.index_cast %add3A_326 : i32 to index
        %swap3A_328 = arith.constant 0 : index
        %swap3A_329 = tpu.vector_load %arg6[%swap3A_327, %swap3A_328] {strides = array<i32>} : memref<512x128xf32, #tpu.memory_space<vmem>>, vector<1x16xf32>,
        %swap3A_330 = vector.shape_cast %swap3A_329 : vector<1x16xf32> to vector<16xf32>
        %swap3A_331 = vector.shape_cast %mul3A_325 : vector<16xf32> to vector<1x16xf32>
        tpu.vector_store %arg6[%swap3A_327, %swap3A_328], %swap3A_331 {strides = array<i32>} : memref<512x128xf32, #tpu.memory_space<vmem>>, vector<1x16xf32>,
        %add3A_332 = arith.addi %mul3A_237, %scan3A_317 : i32
        %get3A_333 = arith.index_cast %add3A_332 : i32 to index
        %get3A_334 = arith.constant 16 : index
        %get3A_335 = tpu.vector_load %arg6[%get3A_333, %get3A_334] {strides = array<i32>} : memref<512x128xf32, #tpu.memory_space<vmem>>, vector<1x16xf32>,
        %get3A_336 = vector.shape_cast %get3A_335 : vector<1x16xf32> to vector<16xf32>
        %mul3A_337 = arith.constant 8.000000e+00 : f32
        %mul3A_338 = vector.broadcast %mul3A_337 : f32 to vector<16xf32>
        %mul3A_339 = arith.mulf %get3A_336, %mul3A_338 : vector<16xf32>
        %add3A_340 = arith.addi %mul3A_237, %scan3A_317 : i32
        %swap3A_341 = arith.index_cast %add3A_340 : i32 to index
        %swap3A_342 = arith.constant 16 : index
        %swap3A_343 = tpu.vector_load %arg6[%swap3A_341, %swap3A_342] {strides = array<i32>} : memref<512x128xf32, #tpu.memory_space<vmem>>, vector<1x16xf32>,
        %swap3A_344 = vector.shape_cast %swap3A_343 : vector<1x16xf32> to vector<16xf32>
        %swap3A_345 = vector.shape_cast %mul3A_339 : vector<16xf32> to vector<1x16xf32>
        tpu.vector_store %arg6[%swap3A_341, %swap3A_342], %swap3A_345 {strides = array<i32>} : memref<512x128xf32, #tpu.memory_space<vmem>>, vector<1x16xf32>,
        %add3A_346 = arith.addi %mul3A_237, %scan3A_317 : i32
        %get3A_347 = arith.index_cast %add3A_346 : i32 to index
        %get3A_348 = arith.constant 32 : index
        %get3A_349 = tpu.vector_load %arg6[%get3A_347, %get3A_348] {strides = array<i32>} : memref<512x128xf32, #tpu.memory_space<vmem>>, vector<1x16xf32>,
        %get3A_350 = vector.shape_cast %get3A_349 : vector<1x16xf32> to vector<16xf32>
        %mul3A_351 = arith.constant 8.000000e+00 : f32
        %mul3A_352 = vector.broadcast %mul3A_351 : f32 to vector<16xf32>
        %mul3A_353 = arith.mulf %get3A_350, %mul3A_352 : vector<16xf32>
        %add3A_354 = arith.addi %mul3A_237, %scan3A_317 : i32
        %swap3A_355 = arith.index_cast %add3A_354 : i32 to index
        %swap3A_356 = arith.constant 32 : index
        %swap3A_357 = tpu.vector_load %arg6[%swap3A_355, %swap3A_356] {strides = array<i32>} : memref<512x128xf32, #tpu.memory_space<vmem>>, vector<1x16xf32>,
        %swap3A_358 = vector.shape_cast %swap3A_357 : vector<1x16xf32> to vector<16xf32>
        %swap3A_359 = vector.shape_cast %mul3A_353 : vector<16xf32> to vector<1x16xf32>
        tpu.vector_store %arg6[%swap3A_355, %swap3A_356], %swap3A_359 {strides = array<i32>} : memref<512x128xf32, #tpu.memory_space<vmem>>, vector<1x16xf32>,
        %add3A_360 = arith.addi %mul3A_237, %scan3A_317 : i32
        %get3A_361 = arith.index_cast %add3A_360 : i32 to index
        %get3A_362 = arith.constant 48 : index
        %get3A_363 = tpu.vector_load %arg6[%get3A_361, %get3A_362] {strides = array<i32>} : memref<512x128xf32, #tpu.memory_space<vmem>>, vector<1x16xf32>,
        %get3A_364 = vector.shape_cast %get3A_363 : vector<1x16xf32> to vector<16xf32>
        %mul3A_365 = arith.constant 8.000000e+00 : f32
        %mul3A_366 = vector.broadcast %mul3A_365 : f32 to vector<16xf32>
        %mul3A_367 = arith.mulf %get3A_364, %mul3A_366 : vector<16xf32>
        %add3A_368 = arith.addi %mul3A_237, %scan3A_317 : i32
        %swap3A_369 = arith.index_cast %add3A_368 : i32 to index
        %swap3A_370 = arith.constant 48 : index
        %swap3A_371 = tpu.vector_load %arg6[%swap3A_369, %swap3A_370] {strides = array<i32>} : memref<512x128xf32, #tpu.memory_space<vmem>>, vector<1x16xf32>,
        %swap3A_372 = vector.shape_cast %swap3A_371 : vector<1x16xf32> to vector<16xf32>
        %swap3A_373 = vector.shape_cast %mul3A_367 : vector<16xf32> to vector<1x16xf32>
        tpu.vector_store %arg6[%swap3A_369, %swap3A_370], %swap3A_373 {strides = array<i32>} : memref<512x128xf32, #tpu.memory_space<vmem>>, vector<1x16xf32>,
        %scan3A_374 = arith.constant 0 : i32
        %scan3A_375 = arith.constant 2 : i32
        %scan3A_376 = arith.addi %scan3A_259, %scan3A_375 : i32
        %add3A_377 = arith.addi %mul3A_237, %scan3A_376 : i32
        %get3A_378 = arith.index_cast %add3A_377 : i32 to index
        %get3A_379 = arith.constant 0 : index
        %get3A_380 = tpu.vector_load %arg6[%get3A_378, %get3A_379] {strides = array<i32>} : memref<512x128xf32, #tpu.memory_space<vmem>>, vector<1x16xf32>,
        %get3A_381 = vector.shape_cast %get3A_380 : vector<1x16xf32> to vector<16xf32>
        %mul3A_382 = arith.constant 8.000000e+00 : f32
        %mul3A_383 = vector.broadcast %mul3A_382 : f32 to vector<16xf32>
        %mul3A_384 = arith.mulf %get3A_381, %mul3A_383 : vector<16xf32>
        %add3A_385 = arith.addi %mul3A_237, %scan3A_376 : i32
        %swap3A_386 = arith.index_cast %add3A_385 : i32 to index
        %swap3A_387 = arith.constant 0 : index
        %swap3A_388 = tpu.vector_load %arg6[%swap3A_386, %swap3A_387] {strides = array<i32>} : memref<512x128xf32, #tpu.memory_space<vmem>>, vector<1x16xf32>,
        %swap3A_389 = vector.shape_cast %swap3A_388 : vector<1x16xf32> to vector<16xf32>
        %swap3A_390 = vector.shape_cast %mul3A_384 : vector<16xf32> to vector<1x16xf32>
        tpu.vector_store %arg6[%swap3A_386, %swap3A_387], %swap3A_390 {strides = array<i32>} : memref<512x128xf32, #tpu.memory_space<vmem>>, vector<1x16xf32>,
        %add3A_391 = arith.addi %mul3A_237, %scan3A_376 : i32
        %get3A_392 = arith.index_cast %add3A_391 : i32 to index
        %get3A_393 = arith.constant 16 : index
        %get3A_394 = tpu.vector_load %arg6[%get3A_392, %get3A_393] {strides = array<i32>} : memref<512x128xf32, #tpu.memory_space<vmem>>, vector<1x16xf32>,
        %get3A_395 = vector.shape_cast %get3A_394 : vector<1x16xf32> to vector<16xf32>
        %mul3A_396 = arith.constant 8.000000e+00 : f32
        %mul3A_397 = vector.broadcast %mul3A_396 : f32 to vector<16xf32>
        %mul3A_398 = arith.mulf %get3A_395, %mul3A_397 : vector<16xf32>
        %add3A_399 = arith.addi %mul3A_237, %scan3A_376 : i32
        %swap3A_400 = arith.index_cast %add3A_399 : i32 to index
        %swap3A_401 = arith.constant 16 : index
        %swap3A_402 = tpu.vector_load %arg6[%swap3A_400, %swap3A_401] {strides = array<i32>} : memref<512x128xf32, #tpu.memory_space<vmem>>, vector<1x16xf32>,
        %swap3A_403 = vector.shape_cast %swap3A_402 : vector<1x16xf32> to vector<16xf32>
        %swap3A_404 = vector.shape_cast %mul3A_398 : vector<16xf32> to vector<1x16xf32>
        tpu.vector_store %arg6[%swap3A_400, %swap3A_401], %swap3A_404 {strides = array<i32>} : memref<512x128xf32, #tpu.memory_space<vmem>>, vector<1x16xf32>,
        %add3A_405 = arith.addi %mul3A_237, %scan3A_376 : i32
        %get3A_406 = arith.index_cast %add3A_405 : i32 to index
        %get3A_407 = arith.constant 32 : index
        %get3A_408 = tpu.vector_load %arg6[%get3A_406, %get3A_407] {strides = array<i32>} : memref<512x128xf32, #tpu.memory_space<vmem>>, vector<1x16xf32>,
        %get3A_409 = vector.shape_cast %get3A_408 : vector<1x16xf32> to vector<16xf32>
        %mul3A_410 = arith.constant 8.000000e+00 : f32
        %mul3A_411 = vector.broadcast %mul3A_410 : f32 to vector<16xf32>
        %mul3A_412 = arith.mulf %get3A_409, %mul3A_411 : vector<16xf32>
        %add3A_413 = arith.addi %mul3A_237, %scan3A_376 : i32
        %swap3A_414 = arith.index_cast %add3A_413 : i32 to index
        %swap3A_415 = arith.constant 32 : index
        %swap3A_416 = tpu.vector_load %arg6[%swap3A_414, %swap3A_415] {strides = array<i32>} : memref<512x128xf32, #tpu.memory_space<vmem>>, vector<1x16xf32>,
        %swap3A_417 = vector.shape_cast %swap3A_416 : vector<1x16xf32> to vector<16xf32>
        %swap3A_418 = vector.shape_cast %mul3A_412 : vector<16xf32> to vector<1x16xf32>
        tpu.vector_store %arg6[%swap3A_414, %swap3A_415], %swap3A_418 {strides = array<i32>} : memref<512x128xf32, #tpu.memory_space<vmem>>, vector<1x16xf32>,
        %add3A_419 = arith.addi %mul3A_237, %scan3A_376 : i32
        %get3A_420 = arith.index_cast %add3A_419 : i32 to index
        %get3A_421 = arith.constant 48 : index
        %get3A_422 = tpu.vector_load %arg6[%get3A_420, %get3A_421] {strides = array<i32>} : memref<512x128xf32, #tpu.memory_space<vmem>>, vector<1x16xf32>,
        %get3A_423 = vector.shape_cast %get3A_422 : vector<1x16xf32> to vector<16xf32>
        %mul3A_424 = arith.constant 8.000000e+00 : f32
        %mul3A_425 = vector.broadcast %mul3A_424 : f32 to vector<16xf32>
        %mul3A_426 = arith.mulf %get3A_423, %mul3A_425 : vector<16xf32>
        %add3A_427 = arith.addi %mul3A_237, %scan3A_376 : i32
        %swap3A_428 = arith.index_cast %add3A_427 : i32 to index
        %swap3A_429 = arith.constant 48 : index
        %swap3A_430 = tpu.vector_load %arg6[%swap3A_428, %swap3A_429] {strides = array<i32>} : memref<512x128xf32, #tpu.memory_space<vmem>>, vector<1x16xf32>,
        %swap3A_431 = vector.shape_cast %swap3A_430 : vector<1x16xf32> to vector<16xf32>
        %swap3A_432 = vector.shape_cast %mul3A_426 : vector<16xf32> to vector<1x16xf32>
        tpu.vector_store %arg6[%swap3A_428, %swap3A_429], %swap3A_432 {strides = array<i32>} : memref<512x128xf32, #tpu.memory_space<vmem>>, vector<1x16xf32>,
        %scan3A_433 = arith.constant 0 : i32
        %scan3A_434 = arith.constant 3 : i32
        %scan3A_435 = arith.addi %scan3A_259, %scan3A_434 : i32
        %add3A_436 = arith.addi %mul3A_237, %scan3A_435 : i32
        %get3A_437 = arith.index_cast %add3A_436 : i32 to index
        %get3A_438 = arith.constant 0 : index
        %get3A_439 = tpu.vector_load %arg6[%get3A_437, %get3A_438] {strides = array<i32>} : memref<512x128xf32, #tpu.memory_space<vmem>>, vector<1x16xf32>,
        %get3A_440 = vector.shape_cast %get3A_439 : vector<1x16xf32> to vector<16xf32>
        %mul3A_441 = arith.constant 8.000000e+00 : f32
        %mul3A_442 = vector.broadcast %mul3A_441 : f32 to vector<16xf32>
        %mul3A_443 = arith.mulf %get3A_440, %mul3A_442 : vector<16xf32>
        %add3A_444 = arith.addi %mul3A_237, %scan3A_435 : i32
        %swap3A_445 = arith.index_cast %add3A_444 : i32 to index
        %swap3A_446 = arith.constant 0 : index
        %swap3A_447 = tpu.vector_load %arg6[%swap3A_445, %swap3A_446] {strides = array<i32>} : memref<512x128xf32, #tpu.memory_space<vmem>>, vector<1x16xf32>,
        %swap3A_448 = vector.shape_cast %swap3A_447 : vector<1x16xf32> to vector<16xf32>
        %swap3A_449 = vector.shape_cast %mul3A_443 : vector<16xf32> to vector<1x16xf32>
        tpu.vector_store %arg6[%swap3A_445, %swap3A_446], %swap3A_449 {strides = array<i32>} : memref<512x128xf32, #tpu.memory_space<vmem>>, vector<1x16xf32>,
        %add3A_450 = arith.addi %mul3A_237, %scan3A_435 : i32
        %get3A_451 = arith.index_cast %add3A_450 : i32 to index
        %get3A_452 = arith.constant 16 : index
        %get3A_453 = tpu.vector_load %arg6[%get3A_451, %get3A_452] {strides = array<i32>} : memref<512x128xf32, #tpu.memory_space<vmem>>, vector<1x16xf32>,
        %get3A_454 = vector.shape_cast %get3A_453 : vector<1x16xf32> to vector<16xf32>
        %mul3A_455 = arith.constant 8.000000e+00 : f32
        %mul3A_456 = vector.broadcast %mul3A_455 : f32 to vector<16xf32>
        %mul3A_457 = arith.mulf %get3A_454, %mul3A_456 : vector<16xf32>
        %add3A_458 = arith.addi %mul3A_237, %scan3A_435 : i32
        %swap3A_459 = arith.index_cast %add3A_458 : i32 to index
        %swap3A_460 = arith.constant 16 : index
        %swap3A_461 = tpu.vector_load %arg6[%swap3A_459, %swap3A_460] {strides = array<i32>} : memref<512x128xf32, #tpu.memory_space<vmem>>, vector<1x16xf32>,
        %swap3A_462 = vector.shape_cast %swap3A_461 : vector<1x16xf32> to vector<16xf32>
        %swap3A_463 = vector.shape_cast %mul3A_457 : vector<16xf32> to vector<1x16xf32>
        tpu.vector_store %arg6[%swap3A_459, %swap3A_460], %swap3A_463 {strides = array<i32>} : memref<512x128xf32, #tpu.memory_space<vmem>>, vector<1x16xf32>,
        %add3A_464 = arith.addi %mul3A_237, %scan3A_435 : i32
        %get3A_465 = arith.index_cast %add3A_464 : i32 to index
        %get3A_466 = arith.constant 32 : index
        %get3A_467 = tpu.vector_load %arg6[%get3A_465, %get3A_466] {strides = array<i32>} : memref<512x128xf32, #tpu.memory_space<vmem>>, vector<1x16xf32>,
        %get3A_468 = vector.shape_cast %get3A_467 : vector<1x16xf32> to vector<16xf32>
        %mul3A_469 = arith.constant 8.000000e+00 : f32
        %mul3A_470 = vector.broadcast %mul3A_469 : f32 to vector<16xf32>
        %mul3A_471 = arith.mulf %get3A_468, %mul3A_470 : vector<16xf32>
        %add3A_472 = arith.addi %mul3A_237, %scan3A_435 : i32
        %swap3A_473 = arith.index_cast %add3A_472 : i32 to index
        %swap3A_474 = arith.constant 32 : index
        %swap3A_475 = tpu.vector_load %arg6[%swap3A_473, %swap3A_474] {strides = array<i32>} : memref<512x128xf32, #tpu.memory_space<vmem>>, vector<1x16xf32>,
        %swap3A_476 = vector.shape_cast %swap3A_475 : vector<1x16xf32> to vector<16xf32>
        %swap3A_477 = vector.shape_cast %mul3A_471 : vector<16xf32> to vector<1x16xf32>
        tpu.vector_store %arg6[%swap3A_473, %swap3A_474], %swap3A_477 {strides = array<i32>} : memref<512x128xf32, #tpu.memory_space<vmem>>, vector<1x16xf32>,
        %add3A_478 = arith.addi %mul3A_237, %scan3A_435 : i32
        %get3A_479 = arith.index_cast %add3A_478 : i32 to index
        %get3A_480 = arith.constant 48 : index
        %get3A_481 = tpu.vector_load %arg6[%get3A_479, %get3A_480] {strides = array<i32>} : memref<512x128xf32, #tpu.memory_space<vmem>>, vector<1x16xf32>,
        %get3A_482 = vector.shape_cast %get3A_481 : vector<1x16xf32> to vector<16xf32>
        %mul3A_483 = arith.constant 8.000000e+00 : f32
        %mul3A_484 = vector.broadcast %mul3A_483 : f32 to vector<16xf32>
        %mul3A_485 = arith.mulf %get3A_482, %mul3A_484 : vector<16xf32>
        %add3A_486 = arith.addi %mul3A_237, %scan3A_435 : i32
        %swap3A_487 = arith.index_cast %add3A_486 : i32 to index
        %swap3A_488 = arith.constant 48 : index
        %swap3A_489 = tpu.vector_load %arg6[%swap3A_487, %swap3A_488] {strides = array<i32>} : memref<512x128xf32, #tpu.memory_space<vmem>>, vector<1x16xf32>,
        %swap3A_490 = vector.shape_cast %swap3A_489 : vector<1x16xf32> to vector<16xf32>
        %swap3A_491 = vector.shape_cast %mul3A_485 : vector<16xf32> to vector<1x16xf32>
        tpu.vector_store %arg6[%swap3A_487, %swap3A_488], %swap3A_491 {strides = array<i32>} : memref<512x128xf32, #tpu.memory_space<vmem>>, vector<1x16xf32>,
        %scan3A_492 = arith.constant 0 : i32
        scf.yield %scan3A_492 : i32
      }
      %scan3A_244 = arith.constant 256 : i32
      %mul3A_245 = arith.constant 256 : i32
      %mul3A_246 = arith.muli %rem3A_153, %mul3A_245 : i32
      %mul3A_247 = arith.constant 256 : i32
      %mul3A_248 = arith.muli %scan3A_151, %mul3A_247 : i32
      %add3A_249 = arith.addi %mul3A_4, %mul3A_248 : i32
      %dma_start3A_250 = arith.constant 0 : i32
      %dma_start3A_251 = tpu.memref_slice %arg6[%mul3A_246, %dma_start3A_250] : memref<512x128xf32, #tpu.memory_space<vmem>> -> memref<256x128xf32, #tpu.memory_space<vmem>>
      %dma_start3A_252 = arith.constant 0 : i32
      %dma_start3A_253 = tpu.memref_slice %arg4[%add3A_249, %dma_start3A_252] : memref<819200x128xf32, #tpu.memory_space<hbm>> -> memref<256x128xf32, #tpu.memory_space<hbm>>
      %dma_start3A_254 = arith.constant 0 : i32
      %dma_start3A_255 = tpu.memref_slice %arg4[%add3A_249, %dma_start3A_254] : memref<819200x128xf32, #tpu.memory_space<hbm>> -> memref<256x128xf32, #tpu.memory_space<hbm>>
      %dma_start3A_256 = arith.constant 0 : i32
      %dma_start3A_257 = tpu.memref_slice %arg6[%mul3A_246, %dma_start3A_256] : memref<512x128xf32, #tpu.memory_space<vmem>> -> memref<256x128xf32, #tpu.memory_space<vmem>>
      tpu.enqueue_dma source(%dma_start3A_257 : memref<256x128xf32, #tpu.memory_space<vmem>>) target(%dma_start3A_255 : memref<256x128xf32, #tpu.memory_space<hbm>>) target_semaphore(%arg8 : memref<!tpu.dma_semaphore, #tpu.memory_space<semaphore_mem>>)
      %scan3A_258 = arith.constant 0 : i32
      scf.yield %scan3A_258 : i32
    }
    %scan3A_87 = arith.constant 98 : i32
    %dma_wait3A_88 = arith.constant 198 : i32
    %dma_wait3A_89 = arith.constant 256 : i32
    %dma_wait3A_90 = arith.constant 0 : i32
    %dma_wait3A_91 = tpu.memref_slice %arg6[%dma_wait3A_89, %dma_wait3A_90] : memref<512x128xf32, #tpu.memory_space<vmem>> -> memref<128x128xf32, #tpu.memory_space<vmem>>
    %dma_wait3A_92 = arith.constant 0 : i32
    %dma_wait3A_93 = tpu.memref_slice %arg5[%dma_wait3A_88, %dma_wait3A_92] : memref<200x128xi32, #tpu.memory_space<vmem>> -> memref<1x128xi32, #tpu.memory_space<vmem>>
    %dma_wait3A_94 = tpu.memref_squeeze %dma_wait3A_93 : memref<1x128xi32, #tpu.memory_space<vmem>> -> memref<128xi32, #tpu.memory_space<vmem>>
    %dma_wait3A_95 = arith.constant 0 : i32
    %dma_wait3A_96 = arith.constant 0 : i32
    %dma_wait3A_97 = tpu.memref_slice %arg2[%dma_wait3A_95, %dma_wait3A_96] : memref<1000000x128xf32, #tpu.memory_space<hbm>> -> memref<1000000x128xf32, #tpu.memory_space<hbm>>
    tpu.wait_indirect_dma semaphore(%arg7 : memref<!tpu.dma_semaphore, #tpu.memory_space<semaphore_mem>>) src(%dma_wait3A_97 : memref<1000000x128xf32, #tpu.memory_space<hbm>>) dst(%dma_wait3A_91 : memref<128x128xf32, #tpu.memory_space<vmem>>)
    %dma_wait3A_98 = arith.constant 199 : i32
    %dma_wait3A_99 = arith.constant 384 : i32
    %dma_wait3A_100 = arith.constant 0 : i32
    %dma_wait3A_101 = tpu.memref_slice %arg6[%dma_wait3A_99, %dma_wait3A_100] : memref<512x128xf32, #tpu.memory_space<vmem>> -> memref<128x128xf32, #tpu.memory_space<vmem>>
    %dma_wait3A_102 = arith.constant 0 : i32
    %dma_wait3A_103 = tpu.memref_slice %arg5[%dma_wait3A_98, %dma_wait3A_102] : memref<200x128xi32, #tpu.memory_space<vmem>> -> memref<1x128xi32, #tpu.memory_space<vmem>>
    %dma_wait3A_104 = tpu.memref_squeeze %dma_wait3A_103 : memref<1x128xi32, #tpu.memory_space<vmem>> -> memref<128xi32, #tpu.memory_space<vmem>>
    %dma_wait3A_105 = arith.constant 0 : i32
    %dma_wait3A_106 = arith.constant 0 : i32
    %dma_wait3A_107 = tpu.memref_slice %arg2[%dma_wait3A_105, %dma_wait3A_106] : memref<1000000x128xf32, #tpu.memory_space<hbm>> -> memref<1000000x128xf32, #tpu.memory_space<hbm>>
    tpu.wait_indirect_dma semaphore(%arg7 : memref<!tpu.dma_semaphore, #tpu.memory_space<semaphore_mem>>) src(%dma_wait3A_107 : memref<1000000x128xf32, #tpu.memory_space<hbm>>) dst(%dma_wait3A_101 : memref<128x128xf32, #tpu.memory_space<vmem>>)
    %scan3A_108 = arith.constant 0 : i32
    %scan3A_109 = arith.constant 0 : i32
    %scan3A_110 = arith.constant 256 : i32
    %scan3A_111 = arith.addi %scan3A_109, %scan3A_110 : i32
    %scan3A_112 = arith.constant 4 : i32
    %scan3A_113 = scf.for %scan3A_151 = %scan3A_109 to %scan3A_111 step %scan3A_112 iter_args(%scan3A_152 = %scan3A_108) -> (i32)  : i32 {
      %add3A_153 = arith.constant 256 : i32
      %add3A_154 = arith.addi %add3A_153, %scan3A_151 : i32
      %get3A = arith.index_cast %add3A_154 : i32 to index
      %get3A_155 = arith.constant 0 : index
      %get3A_156 = tpu.vector_load %arg6[%get3A, %get3A_155] {strides = array<i32>} : memref<512x128xf32, #tpu.memory_space<vmem>>, vector<1x16xf32>,
      %get3A_157 = vector.shape_cast %get3A_156 : vector<1x16xf32> to vector<16xf32>
      %mul3A_158 = arith.constant 8.000000e+00 : f32
      %mul3A_159 = vector.broadcast %mul3A_158 : f32 to vector<16xf32>
      %mul3A_160 = arith.mulf %get3A_157, %mul3A_159 : vector<16xf32>
      %add3A_161 = arith.constant 256 : i32
      %add3A_162 = arith.addi %add3A_161, %scan3A_151 : i32
      %swap3A = arith.index_cast %add3A_162 : i32 to index
      %swap3A_163 = arith.constant 0 : index
      %swap3A_164 = tpu.vector_load %arg6[%swap3A, %swap3A_163] {strides = array<i32>} : memref<512x128xf32, #tpu.memory_space<vmem>>, vector<1x16xf32>,
      %swap3A_165 = vector.shape_cast %swap3A_164 : vector<1x16xf32> to vector<16xf32>
      %swap3A_166 = vector.shape_cast %mul3A_160 : vector<16xf32> to vector<1x16xf32>
      tpu.vector_store %arg6[%swap3A, %swap3A_163], %swap3A_166 {strides = array<i32>} : memref<512x128xf32, #tpu.memory_space<vmem>>, vector<1x16xf32>,
      %add3A_167 = arith.constant 256 : i32
      %add3A_168 = arith.addi %add3A_167, %scan3A_151 : i32
      %get3A_169 = arith.index_cast %add3A_168 : i32 to index
      %get3A_170 = arith.constant 16 : index
      %get3A_171 = tpu.vector_load %arg6[%get3A_169, %get3A_170] {strides = array<i32>} : memref<512x128xf32, #tpu.memory_space<vmem>>, vector<1x16xf32>,
      %get3A_172 = vector.shape_cast %get3A_171 : vector<1x16xf32> to vector<16xf32>
      %mul3A_173 = arith.constant 8.000000e+00 : f32
      %mul3A_174 = vector.broadcast %mul3A_173 : f32 to vector<16xf32>
      %mul3A_175 = arith.mulf %get3A_172, %mul3A_174 : vector<16xf32>
      %add3A_176 = arith.constant 256 : i32
      %add3A_177 = arith.addi %add3A_176, %scan3A_151 : i32
      %swap3A_178 = arith.index_cast %add3A_177 : i32 to index
      %swap3A_179 = arith.constant 16 : index
      %swap3A_180 = tpu.vector_load %arg6[%swap3A_178, %swap3A_179] {strides = array<i32>} : memref<512x128xf32, #tpu.memory_space<vmem>>, vector<1x16xf32>,
      %swap3A_181 = vector.shape_cast %swap3A_180 : vector<1x16xf32> to vector<16xf32>
      %swap3A_182 = vector.shape_cast %mul3A_175 : vector<16xf32> to vector<1x16xf32>
      tpu.vector_store %arg6[%swap3A_178, %swap3A_179], %swap3A_182 {strides = array<i32>} : memref<512x128xf32, #tpu.memory_space<vmem>>, vector<1x16xf32>,
      %add3A_183 = arith.constant 256 : i32
      %add3A_184 = arith.addi %add3A_183, %scan3A_151 : i32
      %get3A_185 = arith.index_cast %add3A_184 : i32 to index
      %get3A_186 = arith.constant 32 : index
      %get3A_187 = tpu.vector_load %arg6[%get3A_185, %get3A_186] {strides = array<i32>} : memref<512x128xf32, #tpu.memory_space<vmem>>, vector<1x16xf32>,
      %get3A_188 = vector.shape_cast %get3A_187 : vector<1x16xf32> to vector<16xf32>
      %mul3A_189 = arith.constant 8.000000e+00 : f32
      %mul3A_190 = vector.broadcast %mul3A_189 : f32 to vector<16xf32>
      %mul3A_191 = arith.mulf %get3A_188, %mul3A_190 : vector<16xf32>
      %add3A_192 = arith.constant 256 : i32
      %add3A_193 = arith.addi %add3A_192, %scan3A_151 : i32
      %swap3A_194 = arith.index_cast %add3A_193 : i32 to index
      %swap3A_195 = arith.constant 32 : index
      %swap3A_196 = tpu.vector_load %arg6[%swap3A_194, %swap3A_195] {strides = array<i32>} : memref<512x128xf32, #tpu.memory_space<vmem>>, vector<1x16xf32>,
      %swap3A_197 = vector.shape_cast %swap3A_196 : vector<1x16xf32> to vector<16xf32>
      %swap3A_198 = vector.shape_cast %mul3A_191 : vector<16xf32> to vector<1x16xf32>
      tpu.vector_store %arg6[%swap3A_194, %swap3A_195], %swap3A_198 {strides = array<i32>} : memref<512x128xf32, #tpu.memory_space<vmem>>, vector<1x16xf32>,
      %add3A_199 = arith.constant 256 : i32
      %add3A_200 = arith.addi %add3A_199, %scan3A_151 : i32
      %get3A_201 = arith.index_cast %add3A_200 : i32 to index
      %get3A_202 = arith.constant 48 : index
      %get3A_203 = tpu.vector_load %arg6[%get3A_201, %get3A_202] {strides = array<i32>} : memref<512x128xf32, #tpu.memory_space<vmem>>, vector<1x16xf32>,
      %get3A_204 = vector.shape_cast %get3A_203 : vector<1x16xf32> to vector<16xf32>
      %mul3A_205 = arith.constant 8.000000e+00 : f32
      %mul3A_206 = vector.broadcast %mul3A_205 : f32 to vector<16xf32>
      %mul3A_207 = arith.mulf %get3A_204, %mul3A_206 : vector<16xf32>
      %add3A_208 = arith.constant 256 : i32
      %add3A_209 = arith.addi %add3A_208, %scan3A_151 : i32
      %swap3A_210 = arith.index_cast %add3A_209 : i32 to index
      %swap3A_211 = arith.constant 48 : index
      %swap3A_212 = tpu.vector_load %arg6[%swap3A_210, %swap3A_211] {strides = array<i32>} : memref<512x128xf32, #tpu.memory_space<vmem>>, vector<1x16xf32>,
      %swap3A_213 = vector.shape_cast %swap3A_212 : vector<1x16xf32> to vector<16xf32>
      %swap3A_214 = vector.shape_cast %mul3A_207 : vector<16xf32> to vector<1x16xf32>
      tpu.vector_store %arg6[%swap3A_210, %swap3A_211], %swap3A_214 {strides = array<i32>} : memref<512x128xf32, #tpu.memory_space<vmem>>, vector<1x16xf32>,
      %scan3A_215 = arith.constant 0 : i32
      %scan3A_216 = arith.constant 1 : i32
      %scan3A_217 = arith.addi %scan3A_151, %scan3A_216 : i32
      %add3A_218 = arith.constant 256 : i32
      %add3A_219 = arith.addi %add3A_218, %scan3A_217 : i32
      %get3A_220 = arith.index_cast %add3A_219 : i32 to index
      %get3A_221 = arith.constant 0 : index
      %get3A_222 = tpu.vector_load %arg6[%get3A_220, %get3A_221] {strides = array<i32>} : memref<512x128xf32, #tpu.memory_space<vmem>>, vector<1x16xf32>,
      %get3A_223 = vector.shape_cast %get3A_222 : vector<1x16xf32> to vector<16xf32>
      %mul3A_224 = arith.constant 8.000000e+00 : f32
      %mul3A_225 = vector.broadcast %mul3A_224 : f32 to vector<16xf32>
      %mul3A_226 = arith.mulf %get3A_223, %mul3A_225 : vector<16xf32>
      %add3A_227 = arith.constant 256 : i32
      %add3A_228 = arith.addi %add3A_227, %scan3A_217 : i32
      %swap3A_229 = arith.index_cast %add3A_228 : i32 to index
      %swap3A_230 = arith.constant 0 : index
      %swap3A_231 = tpu.vector_load %arg6[%swap3A_229, %swap3A_230] {strides = array<i32>} : memref<512x128xf32, #tpu.memory_space<vmem>>, vector<1x16xf32>,
      %swap3A_232 = vector.shape_cast %swap3A_231 : vector<1x16xf32> to vector<16xf32>
      %swap3A_233 = vector.shape_cast %mul3A_226 : vector<16xf32> to vector<1x16xf32>
      tpu.vector_store %arg6[%swap3A_229, %swap3A_230], %swap3A_233 {strides = array<i32>} : memref<512x128xf32, #tpu.memory_space<vmem>>, vector<1x16xf32>,
      %add3A_234 = arith.constant 256 : i32
      %add3A_235 = arith.addi %add3A_234, %scan3A_217 : i32
      %get3A_236 = arith.index_cast %add3A_235 : i32 to index
      %get3A_237 = arith.constant 16 : index
      %get3A_238 = tpu.vector_load %arg6[%get3A_236, %get3A_237] {strides = array<i32>} : memref<512x128xf32, #tpu.memory_space<vmem>>, vector<1x16xf32>,
      %get3A_239 = vector.shape_cast %get3A_238 : vector<1x16xf32> to vector<16xf32>
      %mul3A_240 = arith.constant 8.000000e+00 : f32
      %mul3A_241 = vector.broadcast %mul3A_240 : f32 to vector<16xf32>
      %mul3A_242 = arith.mulf %get3A_239, %mul3A_241 : vector<16xf32>
      %add3A_243 = arith.constant 256 : i32
      %add3A_244 = arith.addi %add3A_243, %scan3A_217 : i32
      %swap3A_245 = arith.index_cast %add3A_244 : i32 to index
      %swap3A_246 = arith.constant 16 : index
      %swap3A_247 = tpu.vector_load %arg6[%swap3A_245, %swap3A_246] {strides = array<i32>} : memref<512x128xf32, #tpu.memory_space<vmem>>, vector<1x16xf32>,
      %swap3A_248 = vector.shape_cast %swap3A_247 : vector<1x16xf32> to vector<16xf32>
      %swap3A_249 = vector.shape_cast %mul3A_242 : vector<16xf32> to vector<1x16xf32>
      tpu.vector_store %arg6[%swap3A_245, %swap3A_246], %swap3A_249 {strides = array<i32>} : memref<512x128xf32, #tpu.memory_space<vmem>>, vector<1x16xf32>,
      %add3A_250 = arith.constant 256 : i32
      %add3A_251 = arith.addi %add3A_250, %scan3A_217 : i32
      %get3A_252 = arith.index_cast %add3A_251 : i32 to index
      %get3A_253 = arith.constant 32 : index
      %get3A_254 = tpu.vector_load %arg6[%get3A_252, %get3A_253] {strides = array<i32>} : memref<512x128xf32, #tpu.memory_space<vmem>>, vector<1x16xf32>,
      %get3A_255 = vector.shape_cast %get3A_254 : vector<1x16xf32> to vector<16xf32>
      %mul3A_256 = arith.constant 8.000000e+00 : f32
      %mul3A_257 = vector.broadcast %mul3A_256 : f32 to vector<16xf32>
      %mul3A_258 = arith.mulf %get3A_255, %mul3A_257 : vector<16xf32>
      %add3A_259 = arith.constant 256 : i32
      %add3A_260 = arith.addi %add3A_259, %scan3A_217 : i32
      %swap3A_261 = arith.index_cast %add3A_260 : i32 to index
      %swap3A_262 = arith.constant 32 : index
      %swap3A_263 = tpu.vector_load %arg6[%swap3A_261, %swap3A_262] {strides = array<i32>} : memref<512x128xf32, #tpu.memory_space<vmem>>, vector<1x16xf32>,
      %swap3A_264 = vector.shape_cast %swap3A_263 : vector<1x16xf32> to vector<16xf32>
      %swap3A_265 = vector.shape_cast %mul3A_258 : vector<16xf32> to vector<1x16xf32>
      tpu.vector_store %arg6[%swap3A_261, %swap3A_262], %swap3A_265 {strides = array<i32>} : memref<512x128xf32, #tpu.memory_space<vmem>>, vector<1x16xf32>,
      %add3A_266 = arith.constant 256 : i32
      %add3A_267 = arith.addi %add3A_266, %scan3A_217 : i32
      %get3A_268 = arith.index_cast %add3A_267 : i32 to index
      %get3A_269 = arith.constant 48 : index
      %get3A_270 = tpu.vector_load %arg6[%get3A_268, %get3A_269] {strides = array<i32>} : memref<512x128xf32, #tpu.memory_space<vmem>>, vector<1x16xf32>,
      %get3A_271 = vector.shape_cast %get3A_270 : vector<1x16xf32> to vector<16xf32>
      %mul3A_272 = arith.constant 8.000000e+00 : f32
      %mul3A_273 = vector.broadcast %mul3A_272 : f32 to vector<16xf32>
      %mul3A_274 = arith.mulf %get3A_271, %mul3A_273 : vector<16xf32>
      %add3A_275 = arith.constant 256 : i32
      %add3A_276 = arith.addi %add3A_275, %scan3A_217 : i32
      %swap3A_277 = arith.index_cast %add3A_276 : i32 to index
      %swap3A_278 = arith.constant 48 : index
      %swap3A_279 = tpu.vector_load %arg6[%swap3A_277, %swap3A_278] {strides = array<i32>} : memref<512x128xf32, #tpu.memory_space<vmem>>, vector<1x16xf32>,
      %swap3A_280 = vector.shape_cast %swap3A_279 : vector<1x16xf32> to vector<16xf32>
      %swap3A_281 = vector.shape_cast %mul3A_274 : vector<16xf32> to vector<1x16xf32>
      tpu.vector_store %arg6[%swap3A_277, %swap3A_278], %swap3A_281 {strides = array<i32>} : memref<512x128xf32, #tpu.memory_space<vmem>>, vector<1x16xf32>,
      %scan3A_282 = arith.constant 0 : i32
      %scan3A_283 = arith.constant 2 : i32
      %scan3A_284 = arith.addi %scan3A_151, %scan3A_283 : i32
      %add3A_285 = arith.constant 256 : i32
      %add3A_286 = arith.addi %add3A_285, %scan3A_284 : i32
      %get3A_287 = arith.index_cast %add3A_286 : i32 to index
      %get3A_288 = arith.constant 0 : index
      %get3A_289 = tpu.vector_load %arg6[%get3A_287, %get3A_288] {strides = array<i32>} : memref<512x128xf32, #tpu.memory_space<vmem>>, vector<1x16xf32>,
      %get3A_290 = vector.shape_cast %get3A_289 : vector<1x16xf32> to vector<16xf32>
      %mul3A_291 = arith.constant 8.000000e+00 : f32
      %mul3A_292 = vector.broadcast %mul3A_291 : f32 to vector<16xf32>
      %mul3A_293 = arith.mulf %get3A_290, %mul3A_292 : vector<16xf32>
      %add3A_294 = arith.constant 256 : i32
      %add3A_295 = arith.addi %add3A_294, %scan3A_284 : i32
      %swap3A_296 = arith.index_cast %add3A_295 : i32 to index
      %swap3A_297 = arith.constant 0 : index
      %swap3A_298 = tpu.vector_load %arg6[%swap3A_296, %swap3A_297] {strides = array<i32>} : memref<512x128xf32, #tpu.memory_space<vmem>>, vector<1x16xf32>,
      %swap3A_299 = vector.shape_cast %swap3A_298 : vector<1x16xf32> to vector<16xf32>
      %swap3A_300 = vector.shape_cast %mul3A_293 : vector<16xf32> to vector<1x16xf32>
      tpu.vector_store %arg6[%swap3A_296, %swap3A_297], %swap3A_300 {strides = array<i32>} : memref<512x128xf32, #tpu.memory_space<vmem>>, vector<1x16xf32>,
      %add3A_301 = arith.constant 256 : i32
      %add3A_302 = arith.addi %add3A_301, %scan3A_284 : i32
      %get3A_303 = arith.index_cast %add3A_302 : i32 to index
      %get3A_304 = arith.constant 16 : index
      %get3A_305 = tpu.vector_load %arg6[%get3A_303, %get3A_304] {strides = array<i32>} : memref<512x128xf32, #tpu.memory_space<vmem>>, vector<1x16xf32>,
      %get3A_306 = vector.shape_cast %get3A_305 : vector<1x16xf32> to vector<16xf32>
      %mul3A_307 = arith.constant 8.000000e+00 : f32
      %mul3A_308 = vector.broadcast %mul3A_307 : f32 to vector<16xf32>
      %mul3A_309 = arith.mulf %get3A_306, %mul3A_308 : vector<16xf32>
      %add3A_310 = arith.constant 256 : i32
      %add3A_311 = arith.addi %add3A_310, %scan3A_284 : i32
      %swap3A_312 = arith.index_cast %add3A_311 : i32 to index
      %swap3A_313 = arith.constant 16 : index
      %swap3A_314 = tpu.vector_load %arg6[%swap3A_312, %swap3A_313] {strides = array<i32>} : memref<512x128xf32, #tpu.memory_space<vmem>>, vector<1x16xf32>,
      %swap3A_315 = vector.shape_cast %swap3A_314 : vector<1x16xf32> to vector<16xf32>
      %swap3A_316 = vector.shape_cast %mul3A_309 : vector<16xf32> to vector<1x16xf32>
      tpu.vector_store %arg6[%swap3A_312, %swap3A_313], %swap3A_316 {strides = array<i32>} : memref<512x128xf32, #tpu.memory_space<vmem>>, vector<1x16xf32>,
      %add3A_317 = arith.constant 256 : i32
      %add3A_318 = arith.addi %add3A_317, %scan3A_284 : i32
      %get3A_319 = arith.index_cast %add3A_318 : i32 to index
      %get3A_320 = arith.constant 32 : index
      %get3A_321 = tpu.vector_load %arg6[%get3A_319, %get3A_320] {strides = array<i32>} : memref<512x128xf32, #tpu.memory_space<vmem>>, vector<1x16xf32>,
      %get3A_322 = vector.shape_cast %get3A_321 : vector<1x16xf32> to vector<16xf32>
      %mul3A_323 = arith.constant 8.000000e+00 : f32
      %mul3A_324 = vector.broadcast %mul3A_323 : f32 to vector<16xf32>
      %mul3A_325 = arith.mulf %get3A_322, %mul3A_324 : vector<16xf32>
      %add3A_326 = arith.constant 256 : i32
      %add3A_327 = arith.addi %add3A_326, %scan3A_284 : i32
      %swap3A_328 = arith.index_cast %add3A_327 : i32 to index
      %swap3A_329 = arith.constant 32 : index
      %swap3A_330 = tpu.vector_load %arg6[%swap3A_328, %swap3A_329] {strides = array<i32>} : memref<512x128xf32, #tpu.memory_space<vmem>>, vector<1x16xf32>,
      %swap3A_331 = vector.shape_cast %swap3A_330 : vector<1x16xf32> to vector<16xf32>
      %swap3A_332 = vector.shape_cast %mul3A_325 : vector<16xf32> to vector<1x16xf32>
      tpu.vector_store %arg6[%swap3A_328, %swap3A_329], %swap3A_332 {strides = array<i32>} : memref<512x128xf32, #tpu.memory_space<vmem>>, vector<1x16xf32>,
      %add3A_333 = arith.constant 256 : i32
      %add3A_334 = arith.addi %add3A_333, %scan3A_284 : i32
      %get3A_335 = arith.index_cast %add3A_334 : i32 to index
      %get3A_336 = arith.constant 48 : index
      %get3A_337 = tpu.vector_load %arg6[%get3A_335, %get3A_336] {strides = array<i32>} : memref<512x128xf32, #tpu.memory_space<vmem>>, vector<1x16xf32>,
      %get3A_338 = vector.shape_cast %get3A_337 : vector<1x16xf32> to vector<16xf32>
      %mul3A_339 = arith.constant 8.000000e+00 : f32
      %mul3A_340 = vector.broadcast %mul3A_339 : f32 to vector<16xf32>
      %mul3A_341 = arith.mulf %get3A_338, %mul3A_340 : vector<16xf32>
      %add3A_342 = arith.constant 256 : i32
      %add3A_343 = arith.addi %add3A_342, %scan3A_284 : i32
      %swap3A_344 = arith.index_cast %add3A_343 : i32 to index
      %swap3A_345 = arith.constant 48 : index
      %swap3A_346 = tpu.vector_load %arg6[%swap3A_344, %swap3A_345] {strides = array<i32>} : memref<512x128xf32, #tpu.memory_space<vmem>>, vector<1x16xf32>,
      %swap3A_347 = vector.shape_cast %swap3A_346 : vector<1x16xf32> to vector<16xf32>
      %swap3A_348 = vector.shape_cast %mul3A_341 : vector<16xf32> to vector<1x16xf32>
      tpu.vector_store %arg6[%swap3A_344, %swap3A_345], %swap3A_348 {strides = array<i32>} : memref<512x128xf32, #tpu.memory_space<vmem>>, vector<1x16xf32>,
      %scan3A_349 = arith.constant 0 : i32
      %scan3A_350 = arith.constant 3 : i32
      %scan3A_351 = arith.addi %scan3A_151, %scan3A_350 : i32
      %add3A_352 = arith.constant 256 : i32
      %add3A_353 = arith.addi %add3A_352, %scan3A_351 : i32
      %get3A_354 = arith.index_cast %add3A_353 : i32 to index
      %get3A_355 = arith.constant 0 : index
      %get3A_356 = tpu.vector_load %arg6[%get3A_354, %get3A_355] {strides = array<i32>} : memref<512x128xf32, #tpu.memory_space<vmem>>, vector<1x16xf32>,
      %get3A_357 = vector.shape_cast %get3A_356 : vector<1x16xf32> to vector<16xf32>
      %mul3A_358 = arith.constant 8.000000e+00 : f32
      %mul3A_359 = vector.broadcast %mul3A_358 : f32 to vector<16xf32>
      %mul3A_360 = arith.mulf %get3A_357, %mul3A_359 : vector<16xf32>
      %add3A_361 = arith.constant 256 : i32
      %add3A_362 = arith.addi %add3A_361, %scan3A_351 : i32
      %swap3A_363 = arith.index_cast %add3A_362 : i32 to index
      %swap3A_364 = arith.constant 0 : index
      %swap3A_365 = tpu.vector_load %arg6[%swap3A_363, %swap3A_364] {strides = array<i32>} : memref<512x128xf32, #tpu.memory_space<vmem>>, vector<1x16xf32>,
      %swap3A_366 = vector.shape_cast %swap3A_365 : vector<1x16xf32> to vector<16xf32>
      %swap3A_367 = vector.shape_cast %mul3A_360 : vector<16xf32> to vector<1x16xf32>
      tpu.vector_store %arg6[%swap3A_363, %swap3A_364], %swap3A_367 {strides = array<i32>} : memref<512x128xf32, #tpu.memory_space<vmem>>, vector<1x16xf32>,
      %add3A_368 = arith.constant 256 : i32
      %add3A_369 = arith.addi %add3A_368, %scan3A_351 : i32
      %get3A_370 = arith.index_cast %add3A_369 : i32 to index
      %get3A_371 = arith.constant 16 : index
      %get3A_372 = tpu.vector_load %arg6[%get3A_370, %get3A_371] {strides = array<i32>} : memref<512x128xf32, #tpu.memory_space<vmem>>, vector<1x16xf32>,
      %get3A_373 = vector.shape_cast %get3A_372 : vector<1x16xf32> to vector<16xf32>
      %mul3A_374 = arith.constant 8.000000e+00 : f32
      %mul3A_375 = vector.broadcast %mul3A_374 : f32 to vector<16xf32>
      %mul3A_376 = arith.mulf %get3A_373, %mul3A_375 : vector<16xf32>
      %add3A_377 = arith.constant 256 : i32
      %add3A_378 = arith.addi %add3A_377, %scan3A_351 : i32
      %swap3A_379 = arith.index_cast %add3A_378 : i32 to index
      %swap3A_380 = arith.constant 16 : index
      %swap3A_381 = tpu.vector_load %arg6[%swap3A_379, %swap3A_380] {strides = array<i32>} : memref<512x128xf32, #tpu.memory_space<vmem>>, vector<1x16xf32>,
      %swap3A_382 = vector.shape_cast %swap3A_381 : vector<1x16xf32> to vector<16xf32>
      %swap3A_383 = vector.shape_cast %mul3A_376 : vector<16xf32> to vector<1x16xf32>
      tpu.vector_store %arg6[%swap3A_379, %swap3A_380], %swap3A_383 {strides = array<i32>} : memref<512x128xf32, #tpu.memory_space<vmem>>, vector<1x16xf32>,
      %add3A_384 = arith.constant 256 : i32
      %add3A_385 = arith.addi %add3A_384, %scan3A_351 : i32
      %get3A_386 = arith.index_cast %add3A_385 : i32 to index
      %get3A_387 = arith.constant 32 : index
      %get3A_388 = tpu.vector_load %arg6[%get3A_386, %get3A_387] {strides = array<i32>} : memref<512x128xf32, #tpu.memory_space<vmem>>, vector<1x16xf32>,
      %get3A_389 = vector.shape_cast %get3A_388 : vector<1x16xf32> to vector<16xf32>
      %mul3A_390 = arith.constant 8.000000e+00 : f32
      %mul3A_391 = vector.broadcast %mul3A_390 : f32 to vector<16xf32>
      %mul3A_392 = arith.mulf %get3A_389, %mul3A_391 : vector<16xf32>
      %add3A_393 = arith.constant 256 : i32
      %add3A_394 = arith.addi %add3A_393, %scan3A_351 : i32
      %swap3A_395 = arith.index_cast %add3A_394 : i32 to index
      %swap3A_396 = arith.constant 32 : index
      %swap3A_397 = tpu.vector_load %arg6[%swap3A_395, %swap3A_396] {strides = array<i32>} : memref<512x128xf32, #tpu.memory_space<vmem>>, vector<1x16xf32>,
      %swap3A_398 = vector.shape_cast %swap3A_397 : vector<1x16xf32> to vector<16xf32>
      %swap3A_399 = vector.shape_cast %mul3A_392 : vector<16xf32> to vector<1x16xf32>
      tpu.vector_store %arg6[%swap3A_395, %swap3A_396], %swap3A_399 {strides = array<i32>} : memref<512x128xf32, #tpu.memory_space<vmem>>, vector<1x16xf32>,
      %add3A_400 = arith.constant 256 : i32
      %add3A_401 = arith.addi %add3A_400, %scan3A_351 : i32
      %get3A_402 = arith.index_cast %add3A_401 : i32 to index
      %get3A_403 = arith.constant 48 : index
      %get3A_404 = tpu.vector_load %arg6[%get3A_402, %get3A_403] {strides = array<i32>} : memref<512x128xf32, #tpu.memory_space<vmem>>, vector<1x16xf32>,
      %get3A_405 = vector.shape_cast %get3A_404 : vector<1x16xf32> to vector<16xf32>
      %mul3A_406 = arith.constant 8.000000e+00 : f32
      %mul3A_407 = vector.broadcast %mul3A_406 : f32 to vector<16xf32>
      %mul3A_408 = arith.mulf %get3A_405, %mul3A_407 : vector<16xf32>
      %add3A_409 = arith.constant 256 : i32
      %add3A_410 = arith.addi %add3A_409, %scan3A_351 : i32
      %swap3A_411 = arith.index_cast %add3A_410 : i32 to index
      %swap3A_412 = arith.constant 48 : index
      %swap3A_413 = tpu.vector_load %arg6[%swap3A_411, %swap3A_412] {strides = array<i32>} : memref<512x128xf32, #tpu.memory_space<vmem>>, vector<1x16xf32>,
      %swap3A_414 = vector.shape_cast %swap3A_413 : vector<1x16xf32> to vector<16xf32>
      %swap3A_415 = vector.shape_cast %mul3A_408 : vector<16xf32> to vector<1x16xf32>
      tpu.vector_store %arg6[%swap3A_411, %swap3A_412], %swap3A_415 {strides = array<i32>} : memref<512x128xf32, #tpu.memory_space<vmem>>, vector<1x16xf32>,
      %scan3A_416 = arith.constant 0 : i32
      scf.yield %scan3A_416 : i32
    }
    %scan3A_114 = arith.constant 256 : i32
    %add3A_115 = arith.constant 25344 : i32
    %add3A_116 = arith.addi %mul3A_4, %add3A_115 : i32
    %dma_start3A_117 = arith.constant 256 : i32
    %dma_start3A_118 = arith.constant 0 : i32
    %dma_start3A_119 = tpu.memref_slice %arg6[%dma_start3A_117, %dma_start3A_118] : memref<512x128xf32, #tpu.memory_space<vmem>> -> memref<256x128xf32, #tpu.memory_space<vmem>>
    %dma_start3A_120 = arith.constant 0 : i32
    %dma_start3A_121 = tpu.memref_slice %arg4[%add3A_116, %dma_start3A_120] : memref<819200x128xf32, #tpu.memory_space<hbm>> -> memref<256x128xf32, #tpu.memory_space<hbm>>
    %dma_start3A_122 = arith.constant 0 : i32
    %dma_start3A_123 = tpu.memref_slice %arg4[%add3A_116, %dma_start3A_122] : memref<819200x128xf32, #tpu.memory_space<hbm>> -> memref<256x128xf32, #tpu.memory_space<hbm>>
    %dma_start3A_124 = arith.constant 256 : i32
    %dma_start3A_125 = arith.constant 0 : i32
    %dma_start3A_126 = tpu.memref_slice %arg6[%dma_start3A_124, %dma_start3A_125] : memref<512x128xf32, #tpu.memory_space<vmem>> -> memref<256x128xf32, #tpu.memory_space<vmem>>
    tpu.enqueue_dma source(%dma_start3A_126 : memref<256x128xf32, #tpu.memory_space<vmem>>) target(%dma_start3A_123 : memref<256x128xf32, #tpu.memory_space<hbm>>) target_semaphore(%arg8 : memref<!tpu.dma_semaphore, #tpu.memory_space<semaphore_mem>>)
    %add3A_127 = arith.constant 25088 : i32
    %add3A_128 = arith.addi %mul3A_4, %add3A_127 : i32
    %dma_wait3A_129 = arith.constant 0 : i32
    %dma_wait3A_130 = arith.constant 0 : i32
    %dma_wait3A_131 = tpu.memref_slice %arg6[%dma_wait3A_129, %dma_wait3A_130] : memref<512x128xf32, #tpu.memory_space<vmem>> -> memref<256x128xf32, #tpu.memory_space<vmem>>
    %dma_wait3A_132 = arith.constant 0 : i32
    %dma_wait3A_133 = tpu.memref_slice %arg4[%add3A_128, %dma_wait3A_132] : memref<819200x128xf32, #tpu.memory_space<hbm>> -> memref<256x128xf32, #tpu.memory_space<hbm>>
    %dma_wait3A_134 = arith.constant 0 : i32
    %dma_wait3A_135 = tpu.memref_slice %arg4[%add3A_128, %dma_wait3A_134] : memref<819200x128xf32, #tpu.memory_space<hbm>> -> memref<256x128xf32, #tpu.memory_space<hbm>>
    %dma_wait3A_136 = arith.constant 0 : i32
    %dma_wait3A_137 = arith.constant 0 : i32
    %dma_wait3A_138 = tpu.memref_slice %arg6[%dma_wait3A_136, %dma_wait3A_137] : memref<512x128xf32, #tpu.memory_space<vmem>> -> memref<256x128xf32, #tpu.memory_space<vmem>>
    tpu.wait_dma2 semaphore(%arg8 : memref<!tpu.dma_semaphore, #tpu.memory_space<semaphore_mem>>) src(%dma_wait3A_138 : memref<256x128xf32, #tpu.memory_space<vmem>>) dst(%dma_wait3A_135 : memref<256x128xf32, #tpu.memory_space<hbm>>)
    %add3A_139 = arith.constant 25344 : i32
    %add3A_140 = arith.addi %mul3A_4, %add3A_139 : i32
    %dma_wait3A_141 = arith.constant 256 : i32
    %dma_wait3A_142 = arith.constant 0 : i32
    %dma_wait3A_143 = tpu.memref_slice %arg6[%dma_wait3A_141, %dma_wait3A_142] : memref<512x128xf32, #tpu.memory_space<vmem>> -> memref<256x128xf32, #tpu.memory_space<vmem>>
    %dma_wait3A_144 = arith.constant 0 : i32
    %dma_wait3A_145 = tpu.memref_slice %arg4[%add3A_140, %dma_wait3A_144] : memref<819200x128xf32, #tpu.memory_space<hbm>> -> memref<256x128xf32, #tpu.memory_space<hbm>>
    %dma_wait3A_146 = arith.constant 0 : i32
    %dma_wait3A_147 = tpu.memref_slice %arg4[%add3A_140, %dma_wait3A_146] : memref<819200x128xf32, #tpu.memory_space<hbm>> -> memref<256x128xf32, #tpu.memory_space<hbm>>
    %dma_wait3A_148 = arith.constant 256 : i32
    %dma_wait3A_149 = arith.constant 0 : i32
    %dma_wait3A_150 = tpu.memref_slice %arg6[%dma_wait3A_148, %dma_wait3A_149] : memref<512x128xf32, #tpu.memory_space<vmem>> -> memref<256x128xf32, #tpu.memory_space<vmem>>
    tpu.wait_dma2 semaphore(%arg8 : memref<!tpu.dma_semaphore, #tpu.memory_space<semaphore_mem>>) src(%dma_wait3A_150 : memref<256x128xf32, #tpu.memory_space<vmem>>) dst(%dma_wait3A_147 : memref<256x128xf32, #tpu.memory_space<hbm>>)
    return
  }
}

</mosaic_0001>

<sc_bundles>
// kernel: kernel.3.cloned.1.call-start
scs
__scs_entry_jumppad:
0x0: {  	(pc) =	sbr.rel $0x88, $3  }
0x1: {  	(tag) =	ssettag $0x0;
	lr =	simm.s32 $0x1  }
0x2: {  	[smem:$0x3F9F] =	sst lr;
	_ =	strace $0xD0000000  }
0x3: {  	_ = 	snop  }
0x4: {  	_ = 	snop  }
0x5: {  	_ = 	snop  }
0x6: {  	_ = 	snop  }
0x7: {  	_ = 	snop  }
__scs_overlays_trampoline_lowered:
0x8: {  	[smem:$0x3FAE] =	sst s0  }
0x9: {  	[smem:$0x3FAF] =	sst s1  }
0xa: {  	[smem:$0x3FB0] =	sst s2  }
0xb: {  	[smem:$0x3FB1] =	sst s3  }
0xc: {  	[smem:$0x3FB2] =	sst s4  }
0xd: {  	[smem:$0x3FB3] =	sst s5  }
0xe: {  	[smem:$0x3FB4] =	sst s6  }
0xf: {  	[smem:$0x3FB5] =	sst s7  }
0x10: {  	[smem:$0x3FB6] =	sst s8  }
0x11: {  	[smem:$0x3FB7] =	sst s9;
	s0 =	simm.s32 @!p0 $0x0  }
0x12: {  	s1 =	sld [smem:$0x3F9D];
	s0 =	simm.s32 @p0 $0x1  }
0x13: {  	[smem:$0x3FB8] =	sst s0;
	s0 =	simm.s32 @!p1 $0x0  }
0x14: {  	s2 =	sld [smem:$0x3F9C];
	s0 =	simm.s32 @p1 $0x1  }
0x15: {  	[smem:$0x3FB9] =	sst s0;
	s0 =	simm.s32 @!p2 $0x0  }
0x16: {  	s3 =	sld [smem:$0x3FDB];
	s0 =	simm.s32 @p2 $0x1  }
0x17: {  	s4 =	simm.s32 $0x1BF5;
	[smem:$0x3FBB] =	sst s0  }
0x18: {  	s0 =	sld [smem:$0x3F9E];
	_ =	swait.ge [sflag:s4], $0x0  }
0x19: {  	s7 =	sld [smem:$0x3F9F]  }
0x1a: {  	s8 =	sadd.s32 $0xFFFFE003, lr  }
0x1b: {  	s9 =	sadd.s32 $0xFFFFFEF7, lr;
	s5 =	simm.s32 $0xFFFFFFFF;
	p2 =	slt.u32 s8, $0xFFFFF086  }
0x1c: {  	p1 =	slt.u32 s9, $0xF7A;
	s5 =	simm.s32 @!p2 $0x0  }
0x1d: {  	s5 =	simm.s32 @p1 $0x1;
	p0 =	seq.s32 s7, s2  }
0x1e: {  	s7 =	smul.u32 @!p0 $0xF7A, s2;
	p2 =	seq.s32 @!p0 s5, $0x0  }
0x1f: {  	s9 =	smul.u32 $0xF7A, s1;
	s8 =	simm.s32 @!p0 $0x1BF5;
	p2 =	por !p2, p0  }
0x20: {  	[sflag:s8] =	ssyncset.s32 @!p0 $0xFFFFF086;
	s6 =	sadd.s32 @!p0 s3, s7;
	s7 =	simm.s32 @!p0 $0x108  }
0x21: {  	s3 =	sadd.s32 s3, s9;
	s6 =	sadd.s32 @!p0 $0x88, s6;
	s7 =	simm.s32 @p2 $0x1082  }
0x22: {  	[simem:s7], [sflag:s8] =	dma.local @!p0 [hbm:s6], $0xF7A  }
0x23: {  	s9 =	sor.u32 $0xD0000000, s2;
	s6 =	simm.s32 $0x108;
	_ =	swait.ge @!p0 [sflag:s8], $0x0  }
0x24: {  	s3 =	sadd.s32 $0x88, s3;
	s6 =	simm.s32 @!p1 $0x1082;
	[sflag:s4] =	ssyncset.s32 $0xFFFFF086  }
0x25: {  	[simem:s6], [sflag:s4] =	dma.local [hbm:s3], $0xF7A  }
0x26: {  	[smem:$0x3F9F] =	sst s1;
	(tag) =	ssettag s2;
	_ =	strace s9  }
0x27: {  	s1 =	sld [smem:$0x3FAF]  }
0x28: {  	s2 =	sld [smem:$0x3FB0]  }
0x29: {  	s4 =	sld [smem:$0x3FB2]  }
0x2a: {  	p0 =	seq.s32 s5, $0x0;
	s5 =	sld [smem:$0x3FB3]  }
0x2b: {  	s6 =	sld [smem:$0x3FB4]  }
0x2c: {  	s7 =	sld [smem:$0x3FB5]  }
0x2d: {  	s3 =	simm.s32 $0x108;
	s8 =	sld [smem:$0x3FB6]  }
0x2e: {  	s3 =	simm.s32 @!p0 $0x1082;
	s9 =	sld [smem:$0x3FB7]  }
0x2f: {  	lr =	sadd.s32 s0, s3;
	s0 =	sld [smem:$0x3FAE]  }
0x30: {  	s3 =	sld [smem:$0x3FB1]  }
0x31: {  	[smem:$0x3FBA] =	sst s10  }
0x32: {  	s10 =	sld [smem:$0x3FB8];
	_ =	sdelay $0x3  }
0x33: {  	p0 =	seq.s32 s10, $0x1;
	s10 =	sld [smem:$0x3FBA];
	_ =	sdelay $0x3  }
0x34: {  	[smem:$0x3FBA] =	sst s10  }
0x35: {  	s10 =	sld [smem:$0x3FB9];
	_ =	sdelay $0x3  }
0x36: {  	p1 =	seq.s32 s10, $0x1;
	s10 =	sld [smem:$0x3FBA];
	_ =	sdelay $0x3  }
0x37: {  	[smem:$0x3FBA] =	sst s10  }
0x38: {  	s10 =	sld [smem:$0x3FBB]  }
0x39: {  	_ = 	snop;
	(pc) =	sbr.ind lr, $3  }
0x3a: {  	_ = 	snop  }
0x3b: {  	_ = 	snop  }
0x3c: {  	p2 =	seq.s32 s10, $0x1;
	s10 =	sld [smem:$0x3FBA]  }
0x3d: {  	_ =	shalt  }
0x3e: {  	_ =	shalt  }
0x3f: {  	_ =	shalt  }
0x40: {  	_ =	shalt  }
0x41: {  	_ =	shalt  }
0x42: {  	_ =	shalt  }
0x43: {  	_ =	shalt  }
0x44: {  	_ =	shalt  }
0x45: {  	_ =	shalt  }
0x46: {  	_ =	shalt  }
0x47: {  	_ =	shalt  }
0x48: {  	_ =	shalt  }
0x49: {  	_ =	shalt  }
0x4a: {  	_ =	shalt  }
0x4b: {  	_ =	shalt  }
0x4c: {  	_ =	shalt  }
0x4d: {  	_ =	shalt  }
0x4e: {  	_ =	shalt  }
0x4f: {  	_ =	shalt  }
0x50: {  	_ =	shalt  }
0x51: {  	_ =	shalt  }
0x52: {  	_ =	shalt  }
0x53: {  	_ =	shalt  }
0x54: {  	_ =	shalt  }
0x55: {  	_ =	shalt  }
0x56: {  	_ =	shalt  }
0x57: {  	_ =	shalt  }
0x58: {  	_ =	shalt  }
0x59: {  	_ =	shalt  }
0x5a: {  	_ =	shalt  }
0x5b: {  	_ =	shalt  }
0x5c: {  	_ =	shalt  }
0x5d: {  	_ =	shalt  }
0x5e: {  	_ =	shalt  }
0x5f: {  	_ =	shalt  }
0x60: {  	_ =	shalt  }
0x61: {  	_ =	shalt  }
0x62: {  	_ =	shalt  }
0x63: {  	_ =	shalt  }
0x64: {  	_ =	shalt  }
0x65: {  	_ =	shalt  }
0x66: {  	_ =	shalt  }
0x67: {  	_ =	shalt  }
0x68: {  	_ =	shalt  }
0x69: {  	_ =	shalt  }
0x6a: {  	_ =	shalt  }
0x6b: {  	_ =	shalt  }
0x6c: {  	_ =	shalt  }
0x6d: {  	_ =	shalt  }
0x6e: {  	_ =	shalt  }
0x6f: {  	_ =	shalt  }
0x70: {  	_ =	shalt  }
0x71: {  	_ =	shalt  }
0x72: {  	_ =	shalt  }
0x73: {  	_ =	shalt  }
0x74: {  	_ =	shalt  }
0x75: {  	_ =	shalt  }
0x76: {  	_ =	shalt  }
0x77: {  	_ =	shalt  }
0x78: {  	_ =	shalt  }
0x79: {  	_ =	shalt  }
0x7a: {  	_ =	shalt  }
0x7b: {  	_ =	shalt  }
0x7c: {  	_ =	shalt  }
0x7d: {  	_ =	shalt  }
0x7e: {  	_ =	shalt  }
0x7f: {  	_ =	shalt  }
0x80: {  	_ =	shalt  }
0x81: {  	_ =	shalt  }
0x82: {  	_ =	shalt  }
0x83: {  	_ =	shalt  }
0x84: {  	_ =	shalt  }
0x85: {  	_ =	shalt  }
0x86: {  	_ =	shalt  }
0x87: {  	_ =	shalt  }
.Lfunc_end0:
.L_simem_size_0:
called_computation.1_lowered:
.L_overlay_start_0:
0x88: {  	s2 =	sld [smem:$0x3FD9]  }
0x89: {  	s3 =	sld [smem:$0x3FFE];
	_ =	sdelay $0x1  }
0x8a: {  	s1 =	srdreg.scid  }
0x8b: {  	s0 =	sand.u32 $0x1, s1  }
0x8c: {  	s17 =	sshll.u32 s0, $0xA;
	s2 =	sadd.s32 s3, s2  }
0x8d: {  	s2 =	sadd.s32 s2, s17  }
0x8e: {  	[smem:$0x3FC6] =	sst s2  }
0x8f: {  	_ = 	snop  }
0x90: {  	s2 =	sld [smem:$0x3FD0];
	(tm) =	ssettm $0x1  }
0x91: {  	s18 =	sld [smem:$0x3FFB];
	_ =	sdelay $0x3  }
0x92: {  	_ =	strace s18  }
0x93: {  	s3 =	sld [smem:$0x3FFC];
	_ =	sdelay $0x3  }
0x94: {  	_ =	strace s3  }
0x95: {  	s3 =	sld [smem:$0x3FFD];
	_ =	sdelay $0x3  }
0x96: {  	_ =	strace s3  }
0x97: {  	_ =	strace $0x8FFFFFFF  }
0x98: {  	s19 =	sld [smem:$0x3FDB];
	_ =	sdelay $0x1  }
0x99: {  	s4 =	simm.s32 $_scs_section_size  }
0x9a: {  	s5 =	simm.s32 $_size__tile_overlayer_lowered;
	s6 =	simm.s32 $_tile_overlayer_lowered  }
0x9b: {  	s22 =	simm.s32 $0x1BFF;
	s21 =	sshll.u32 s6, $0x1;
	s3 =	sadd.s32 s4, s19  }
0x9c: {  	s7 =	simm.s32 $0x0;
	s20 =	sshll.u32 s5, $0x1;
	s5 =	sadd.s32 s21, s3  }
0x9d: {  	[timem:s7], [sflag:s22] =	dma.local [hbm:s5], s20  }
0x9e: {  	_ =	swait.ge [sflag:s22], s20  }
0x9f: {  	s4 =	ssub.s32 $0x0, s20;
	[sflag:s22] =	ssyncset.done $0x0  }
0xa0: {  	[sflag:s22] =	ssyncadd.s32 s4;
	_ =	sdelay $0x1  }
0xa1: {  	s23 =	simm.s32 $0x1B8B  }
0xa2: {  	_ =	swait.ge [sflag:s23], $0x1  }
0xa3: {  	[sflag:s23] =	ssyncset.done $0x0  }
0xa4: {  	s25 =	simm.s32 $0x1B8E;
	s24 =	sld [smem:$0x3FFE];
	[sflag:s23] =	ssyncadd.s32 $0xFFFFFFFF  }
0xa5: {  	s26 =	simm.s32 $execute0_lowered;
	[smem:$0x3FD2] =	sst s25  }
0xa6: {  	s5 =	sshll.u32 s26, $0x1;
	_ =	strace $0x80000046;
	[dreg:$0x1] =	wrdreg $0xFFFFFFFF  }
0xa7: {  	s28 =	simm.s32 $_size_execute0_lowered;
	s3 =	sadd.s32 s3, s5;
	[dreg:$0x0] =	wrdreg $0x0  }
0xa8: {  	s5 =	sshll.u32 s28, $0x1;
	[dreg:$0x2] =	wrdreg s3  }
0xa9: {  	[dreg:$0x3] =	wrdreg s5  }
0xaa: {  	[dreg:$0x4] =	wrdreg $0xC0  }
0xab: {  	_ =	task [dreg:s7], $0x5FFFF  }
0xac: {  	[dreg:$0x1] =	wrdreg $0xFFFFFFFF  }
0xad: {  	[dreg:$0x0] =	wrdreg $0x60  }
0xae: {  	[dreg:$0x2] =	wrdreg s24  }
0xaf: {  	[dreg:$0x3] =	wrdreg s2  }
0xb0: {  	[dreg:$0x4] =	wrdreg $0x9  }
0xb1: {  	_ =	task.clear_ibuf [dreg:s7], $0x5FFFF;
	_ =	strace $0x90000046  }
0xb2: {  	s29 =	simm.s32 $0x9;
	_ =	strace $0x80000048  }
0xb3: {  	_ =	swait.ge [sflag:s29], $0x1  }
0xb4: {  	[sflag:s29] =	ssyncadd.s32 $0xFFFFFFFF  }
0xb5: {  	_ =	strace $0x90000048  }
0xb6: {  	_ =	sfence  }
0xb7: {  	s30 =	sld [smem:$0x0];
	_ =	sdelay $0x2  }
0xb8: {  	s31 =	sshll.u32 s1, $0xD;
	s1 =	sshrl.u32 s1, $0x2  }
0xb9: {  	s3 =	sand.u32 $0x4000, s31;
	s1 =	sadd.s32 s1, s30  }
0xba: {  	s0 =	sor.u32 s3, s0;
	s1 =	sshll.u32 s1, $0x11  }
0xbb: {  	s0 =	sor.u32 s1, s0  }
0xbc: {  	s0 =	sadd.s32 $0x8F2B, s0  }
0xbd: {  	[sflag:s0] =	ssyncadd.remote.s32 $0x1  }
0xbe: {  	_ =	sfence.sel $0xFFFF  }
0xbf: {  	[dreg:$0x0] =	wrdreg $0xFFFFFFFF;
	(pc) =	sbr.abs _section_cstart, $3  }
0xc0: {  	[dreg:$0x1] =	wrdreg $0xFFFFFFFF  }
0xc1: {  	_ =	task.clear_ibuf [dreg:s7], $0x2FFFF;
	_ =	strace $0x9FFFFFFF  }
0xc2: {  	(tm) =	ssettm $0x7FFFFFFF  }
0xc3: {  	_ =	shalt  }
tec
execute0_lowered:
.L_overlay_start_1:
0x0: {  	(tag) =	ssettag $0x1  }
0x1: {  	s5 =	rddreg [dreg:$0x0]  }
0x2: {  	s6 =	rddreg [dreg:$0x1]  }
0x3: {  	s0 =	rddreg [dreg:$0x2]  }
0x4: {  	s3 =	srdreg.scid;
	s1 =	stileid.u32;
	s2 =	simm.s32 $0x0  }
0x5: {  	s12 =	simm.s32 $0x6400;
	s13 =	simm.s32 $0xA400;
	s14 =	simm.s32 $0x100  }
0x6: {  	s15 =	simm.s32 $0xE400;
	s16 =	simm.s32 $0x180;
	s17 =	simm.s32 $0x12400  }
0x7: {  	s18 =	simm.s32 $0x1;
	s7 =	sand.u32 $0x1, s3;
	s31 =	sshll.u32 s1, $0x1  }
0x8: {  	s19 =	simm.s32 $0x2;
	s20 =	simm.s32 $0x0;
	s8 =	sor.u32 s7, s31  }
0x9: {  	[smem:$0x7FF] =	sst s2;
	s4 =	sadd.s32 $0xA00, s5;
	s3 =	smul.u32 $0x320000, s8  }
0xa: {  	s5 =	sadd.s32 $0xF42E00, s5;
	s7 =	ssub.s32 $0x2, s7;
	s9 =	smul.u32 $0xC80, s8  }
0xb: {  	_ =	strace $0x80000047;
	s10 =	sshrl.u32 s7, $0x1;
	s8 =	smul.u32 $0x64000, s8  }
0xc: {  	s10 =	ssub.s32 s7, s10;
	s11 =	sshrl.u32 s3, $0x3;
	s6 =	sadd.s32 s6, s9  }
0xd: {  	s7 =	sadd.s32 s4, s8;
	s9 =	smax.u32 s10, $0x1;
	s11 =	sadd.s32 s4, s11  }
0xe: {  	s10 =	simm.s32 $0x3;
	s8 =	sadd.s32 $0x63000, s11;
	s11 =	simm.s32 $0x80  }
.LBB2_1:
0xf: {  	[tilespmem:s2], [sflag:$0x3] =	stream.linear.gather [hbm4b:s6+s2], $0x6400, $0x38;
	[tilespmem:$0x16400] =	vst v63  }
0x10: {  	_ =	swait.ge [sflag:s10], $0x6400  }
0x11: {  	[sflag:s10] =	ssyncset.done $0x0  }
0x12: {  	[sflag:s10] =	ssyncadd.s32 $0xFFFF9C00  }
0x13: {  	[tilespmem:s12], [sflag:$0x1] =	stream.indirect.gather [hbm4b:s5+s11], $0x80, s2, s11, $0xb8;
	[tilespmem:$0x16400] =	vst v63  }
0x14: {  	_ = 	snop  }
0x15: {  	[tilespmem:s13], [sflag:$0x1] =	stream.indirect.gather [hbm4b:s5+s11], $0x80, s11, s11, $0xb8;
	[tilespmem:$0x16400] =	vst v63  }
0x16: {  	_ = 	snop  }
0x17: {  	[tilespmem:s15], [sflag:$0x1] =	stream.indirect.gather [hbm4b:s5+s11], $0x80, s14, s11, $0xb8;
	[tilespmem:$0x16400] =	vst v63  }
0x18: {  	_ = 	snop  }
0x19: {  	[tilespmem:s17], [sflag:$0x1] =	stream.indirect.gather [hbm4b:s5+s11], $0x80, s16, s11, $0xb8;
	[tilespmem:$0x16400] =	vst v63  }
0x1a: {  	_ =	swait.ge [sflag:s18], $0x4000  }
0x1b: {  	[sflag:s18] =	ssyncset.done $0x0  }
0x1c: {  	[sflag:s18] =	ssyncadd.s32 $0xFFFFC000  }
0x1d: {  	_ =	swait.ge [sflag:s18], $0x4000  }
0x1e: {  	[sflag:s18] =	ssyncset.done $0x0  }
0x1f: {  	s21 =	simm.s32 $0x6500;
	[sflag:s18] =	ssyncadd.s32 $0xFFFFC000  }
0x20: {  	v1 =	vld [tilespmem:s21+$0x20]  }
0x21: {  	v2 =	vld [tilespmem:s21+$0xFFFFFF80]  }
0x22: {  	v3 =	vld [tilespmem:s21+$0xA0]  }
0x23: {  	v4 =	vld [tilespmem:s21+$0x90]  }
0x24: {  	v5 =	vld [tilespmem:s21+$0xFFFFFF20]  }
0x25: {  	v0 =	vld [tilespmem:s21+$0x10]  }
0x26: {  	v7 =	vld [tilespmem:s21+$0xFFFFFF10]  }
0x27: {  	v8 =	vld [tilespmem:s21+$0x80]  }
0x28: {  	v9 =	vld [tilespmem:s21+$0xFFFFFF00];
	v4 =	vmul.f32 $8.000000000e+00, v4  }
0x29: {  	v10 =	vld [tilespmem:s21+$0x30];
	v1 =	vmul.f32 $8.000000000e+00, v1  }
0x2a: {  	v11 =	vld [tilespmem:s21+$0xFFFFFF90];
	v2 =	vmul.f32 $8.000000000e+00, v2;
	[tilespmem:s21+$0x90] =	vst v4  }
0x2b: {  	v6 =	vld [tilespmem:s21+$0xB0];
	v4 =	vmul.f32 $8.000000000e+00, v3;
	[tilespmem:s21+$0x20] =	vst v1  }
0x2c: {  	v12 =	vmul.f32 $8.000000000e+00, v5;
	v3 =	vld [tilespmem:s21+$0x0];
	[tilespmem:s21+$0xFFFFFF80] =	vst v2  }
0x2d: {  	v2 =	vmul.f32 $8.000000000e+00, v8;
	[tilespmem:s21+$0xA0] =	vst v4;
	v4 =	vld [tilespmem:s21+$0xFFFFFFB0]  }
0x2e: {  	v5 =	vld [tilespmem:s21+$0xFFFFFFA0];
	v8 =	vmul.f32 $8.000000000e+00, v9;
	v1 =	vmul.f32 $8.000000000e+00, v7;
	[tilespmem:s21+$0xFFFFFF20] =	vst v12  }
0x2f: {  	s22 =	simm.s32 $0x0;
	s23 =	simm.s32 $0x6700;
	v7 =	vld [tilespmem:s21+$0xFFFFFF30];
	v9 =	vmul.f32 $8.000000000e+00, v11;
	[tilespmem:s21+$0x80] =	vst v2;
	v2 =	vmul.f32 $8.000000000e+00, v10  }
.LBB2_2:
0x30: {  	v10 =	vld [tilespmem:s23+$0x20];
	s22 =	sadd.s32 $0x4, s22;
	[tilespmem:s21+$0xFFFFFF00] =	vst v8;
	v0 =	vmul.f32 $8.000000000e+00, v0;
	v6 =	vmul.f32 $8.000000000e+00, v6  }
0x31: {  	v8 =	vld [tilespmem:s23+$0xFFFFFF80];
	p0 =	slt.u32 s22, $0xFC;
	[tilespmem:s21+$0xFFFFFF90] =	vst v9;
	v3 =	vmul.f32 $8.000000000e+00, v3  }
0x32: {  	v9 =	vld [tilespmem:s23+$0xA0];
	v4 =	vmul.f32 $8.000000000e+00, v4;
	[tilespmem:s21+$0xB0] =	vst v6  }
0x33: {  	v11 =	vld [tilespmem:s23+$0xFFFFFF20];
	v5 =	vmul.f32 $8.000000000e+00, v5;
	[tilespmem:s21+$0x0] =	vst v3  }
0x34: {  	v3 =	vld [tilespmem:s23+$0x90];
	v6 =	vmul.f32 $8.000000000e+00, v7;
	[tilespmem:s21+$0x10] =	vst v0  }
0x35: {  	v0 =	vld [tilespmem:s23+$0x10];
	v7 =	vmul.f32 $8.000000000e+00, v10;
	[tilespmem:s21+$0xFFFFFF10] =	vst v1  }
0x36: {  	v1 =	vld [tilespmem:s23+$0xFFFFFF10];
	[tilespmem:s21+$0xFFFFFF30] =	vst v6  }
0x37: {  	v10 =	vld [tilespmem:s23+$0x80];
	v9 =	vmul.f32 $8.000000000e+00, v9;
	[tilespmem:s21+$0x30] =	vst v2  }
0x38: {  	v2 =	vld [tilespmem:s23+$0xFFFFFF00];
	[tilespmem:s21+$0xFFFFFFB0] =	vst v4  }
0x39: {  	v12 =	vld [tilespmem:s23+$0x30];
	v3 =	vmul.f32 $8.000000000e+00, v3;
	[tilespmem:s21+$0xFFFFFFA0] =	vst v5;
	s21 =	smov.u32 s23  }
0x3a: {  	v13 =	vld [tilespmem:s23+$0xFFFFFF90];
	[tilespmem:s23+$0x20] =	vst v7  }
.Ltmp0:
0x3b: {  	v4 =	vmul.f32 $8.000000000e+00, v8;
	[tilespmem:s23+$0x90] =	vst v3;
	v6 =	vld [tilespmem:s23+$0xB0];
	(pc) =	sbr.rel @p0 .LBB2_2-.Ltmp0, $4  }
0x3c: {  	v3 =	vld [tilespmem:s23+$0x0];
	v7 =	vmul.f32 $8.000000000e+00, v10;
	[tilespmem:s23+$0xA0] =	vst v9  }
0x3d: {  	v9 =	vmul.f32 $8.000000000e+00, v11;
	[tilespmem:s23+$0xFFFFFF80] =	vst v4;
	v4 =	vld [tilespmem:s23+$0xFFFFFFB0]  }
0x3e: {  	v1 =	vmul.f32 $8.000000000e+00, v1;
	v8 =	vmul.f32 $8.000000000e+00, v2;
	v5 =	vld [tilespmem:s23+$0xFFFFFFA0];
	[tilespmem:s23+$0x80] =	vst v7  }
0x3f: {  	v2 =	vmul.f32 $8.000000000e+00, v12;
	s23 =	sadd.s32 $0x200, s23;
	[tilespmem:s21+$0xFFFFFF20] =	vst v9;
	v7 =	vld [tilespmem:s21+$0xFFFFFF30];
	v9 =	vmul.f32 $8.000000000e+00, v13  }
0x40: {  	[tilespmem:s21+$0xFFFFFF00] =	vst v8  }
0x41: {  	[tilespmem:s21+$0xFFFFFF10] =	vst v1  }
0x42: {  	v6 =	vmul.f32 $8.000000000e+00, v6;
	[tilespmem:s21+$0xFFFFFF90] =	vst v9  }
0x43: {  	v0 =	vmul.f32 $8.000000000e+00, v0;
	[tilespmem:s21+$0x30] =	vst v2  }
0x44: {  	v3 =	vmul.f32 $8.000000000e+00, v3;
	[tilespmem:s21+$0xB0] =	vst v6  }
0x45: {  	[tilespmem:s21+$0x10] =	vst v0;
	v62 =	vmul.f32 $8.000000000e+00, v4  }
0x46: {  	[tilespmem:s21+$0x0] =	vst v3;
	v63 =	vmul.f32 $8.000000000e+00, v5  }
0x47: {  	v61 =	vmul.f32 $8.000000000e+00, v7;
	[tilespmem:s21+$0xFFFFFFB0] =	vst v62  }
0x48: {  	[tilespmem:s21+$0xFFFFFFA0] =	vst v63  }
0x49: {  	s22 =	simm.s32 $0x1;
	p0 =	por $0x1, $0x1;
	[tilespmem:s21+$0xFFFFFF30] =	vst v61  }
0x4a: {  	[hbm4b:s7+s2] =	stream.linear.scatter [tilespmem:s12], [sflag:$0x2], $0x8000, $0x38;
	[tilespmem:$0x16400] =	vst v63  }
.LBB2_4:
0x4b: {  	s24 =	sand.u32 $0x1, s22  }
0x4c: {  	_ =	swait.ge [sflag:s19], $0x8000;
	s23 =	sshll.u32 s24, $0x11  }
0x4d: {  	s21 =	sadd.s32 $0x1, s22;
	[sflag:s19] =	ssyncset.done $0x0;
	s23 =	sshrl.u32 s23, $0x2  }
0x4e: {  	s26 =	sshll.u32 s21, $0x8;
	s24 =	sshll.u32 s24, $0xF;
	s25 =	sxor.u32 $0x8000, s23  }
0x4f: {  	[sflag:s19] =	ssyncadd.s32 $0xFFFF8000;
	s26 =	sand.u32 $0x3FFFFF00, s26;
	s25 =	sor.u32 $0x6400, s25  }
0x50: {  	[tilespmem:s25], [sflag:$0x1] =	stream.indirect.gather [hbm4b:s5+s11], $0x80, s26, s11, $0xb8;
	[tilespmem:$0x16400] =	vst v63  }
0x51: {  	s24 =	ssub.s32 $0x12400, s24;
	s31 =	sor.u32 $0x80, s26  }
0x52: {  	[tilespmem:s24], [sflag:$0x1] =	stream.indirect.gather [hbm4b:s5+s11], $0x80, s31, s11, $0xb8;
	[tilespmem:$0x16400] =	vst v63  }
0x53: {  	_ =	swait.ge [sflag:s18], $0x4000  }
0x54: {  	[sflag:s18] =	ssyncset.done $0x0  }
0x55: {  	s24 =	simm.s32 $0x1;
	[sflag:s18] =	ssyncadd.s32 $0xFFFFC000  }
0x56: {  	s24 =	simm.s32 @!p0 $0x0;
	_ =	swait.ge [sflag:s18], $0x4000  }
0x57: {  	s24 =	sshll.u32 s24, $0xF;
	[sflag:s18] =	ssyncset.done $0x0  }
0x58: {  	s24 =	sor.u32 $0x6500, s24;
	[sflag:s18] =	ssyncadd.s32 $0xFFFFC000  }
0x59: {  	v1 =	vld [tilespmem:s24+$0x20]  }
0x5a: {  	v2 =	vld [tilespmem:s24+$0xFFFFFF80]  }
0x5b: {  	v3 =	vld [tilespmem:s24+$0xA0]  }
0x5c: {  	v4 =	vld [tilespmem:s24+$0x90]  }
0x5d: {  	v5 =	vld [tilespmem:s24+$0xFFFFFF20]  }
0x5e: {  	v0 =	vld [tilespmem:s24+$0x10]  }
0x5f: {  	v7 =	vld [tilespmem:s24+$0xFFFFFF10]  }
0x60: {  	v8 =	vld [tilespmem:s24+$0x80]  }
0x61: {  	v9 =	vld [tilespmem:s24+$0xFFFFFF00];
	v4 =	vmul.f32 $8.000000000e+00, v4  }
0x62: {  	v10 =	vld [tilespmem:s24+$0x30];
	v1 =	vmul.f32 $8.000000000e+00, v1  }
0x63: {  	v11 =	vld [tilespmem:s24+$0xFFFFFF90];
	v2 =	vmul.f32 $8.000000000e+00, v2;
	[tilespmem:s24+$0x90] =	vst v4  }
0x64: {  	v6 =	vld [tilespmem:s24+$0xB0];
	v4 =	vmul.f32 $8.000000000e+00, v3;
	[tilespmem:s24+$0x20] =	vst v1  }
0x65: {  	v12 =	vmul.f32 $8.000000000e+00, v5;
	v3 =	vld [tilespmem:s24+$0x0];
	[tilespmem:s24+$0xFFFFFF80] =	vst v2  }
0x66: {  	v2 =	vmul.f32 $8.000000000e+00, v8;
	[tilespmem:s24+$0xA0] =	vst v4;
	v4 =	vld [tilespmem:s24+$0xFFFFFFB0]  }
0x67: {  	v5 =	vld [tilespmem:s24+$0xFFFFFFA0];
	v8 =	vmul.f32 $8.000000000e+00, v9;
	v1 =	vmul.f32 $8.000000000e+00, v7;
	[tilespmem:s24+$0xFFFFFF20] =	vst v12  }
0x68: {  	s25 =	simm.s32 $0x0;
	s26 =	sadd.s32 $0x200, s24;
	v7 =	vld [tilespmem:s24+$0xFFFFFF30];
	v9 =	vmul.f32 $8.000000000e+00, v11;
	[tilespmem:s24+$0x80] =	vst v2;
	v2 =	vmul.f32 $8.000000000e+00, v10  }
.LBB2_5:
0x69: {  	v10 =	vld [tilespmem:s26+$0x20];
	s25 =	sadd.s32 $0x4, s25;
	[tilespmem:s24+$0xFFFFFF00] =	vst v8;
	v0 =	vmul.f32 $8.000000000e+00, v0;
	v6 =	vmul.f32 $8.000000000e+00, v6  }
0x6a: {  	v8 =	vld [tilespmem:s26+$0xFFFFFF80];
	p1 =	slt.u32 s25, $0xFC;
	[tilespmem:s24+$0xFFFFFF90] =	vst v9;
	v3 =	vmul.f32 $8.000000000e+00, v3  }
0x6b: {  	v9 =	vld [tilespmem:s26+$0xA0];
	v4 =	vmul.f32 $8.000000000e+00, v4;
	[tilespmem:s24+$0xB0] =	vst v6  }
0x6c: {  	v11 =	vld [tilespmem:s26+$0xFFFFFF20];
	v5 =	vmul.f32 $8.000000000e+00, v5;
	[tilespmem:s24+$0x0] =	vst v3  }
0x6d: {  	v3 =	vld [tilespmem:s26+$0x90];
	v6 =	vmul.f32 $8.000000000e+00, v7;
	[tilespmem:s24+$0x10] =	vst v0  }
0x6e: {  	v0 =	vld [tilespmem:s26+$0x10];
	v7 =	vmul.f32 $8.000000000e+00, v10;
	[tilespmem:s24+$0xFFFFFF10] =	vst v1  }
0x6f: {  	v1 =	vld [tilespmem:s26+$0xFFFFFF10];
	[tilespmem:s24+$0xFFFFFF30] =	vst v6  }
0x70: {  	v10 =	vld [tilespmem:s26+$0x80];
	v9 =	vmul.f32 $8.000000000e+00, v9;
	[tilespmem:s24+$0x30] =	vst v2  }
0x71: {  	v2 =	vld [tilespmem:s26+$0xFFFFFF00];
	[tilespmem:s24+$0xFFFFFFB0] =	vst v4  }
0x72: {  	v12 =	vld [tilespmem:s26+$0x30];
	v3 =	vmul.f32 $8.000000000e+00, v3;
	[tilespmem:s24+$0xFFFFFFA0] =	vst v5;
	s24 =	smov.u32 s26  }
0x73: {  	v13 =	vld [tilespmem:s26+$0xFFFFFF90];
	[tilespmem:s26+$0x20] =	vst v7  }
.Ltmp1:
0x74: {  	v4 =	vmul.f32 $8.000000000e+00, v8;
	[tilespmem:s26+$0x90] =	vst v3;
	v6 =	vld [tilespmem:s26+$0xB0];
	(pc) =	sbr.rel @p1 .LBB2_5-.Ltmp1, $4  }
0x75: {  	v3 =	vld [tilespmem:s26+$0x0];
	v7 =	vmul.f32 $8.000000000e+00, v10;
	[tilespmem:s26+$0xA0] =	vst v9  }
0x76: {  	v9 =	vmul.f32 $8.000000000e+00, v11;
	[tilespmem:s26+$0xFFFFFF80] =	vst v4;
	v4 =	vld [tilespmem:s26+$0xFFFFFFB0]  }
0x77: {  	v1 =	vmul.f32 $8.000000000e+00, v1;
	v8 =	vmul.f32 $8.000000000e+00, v2;
	v5 =	vld [tilespmem:s26+$0xFFFFFFA0];
	[tilespmem:s26+$0x80] =	vst v7  }
0x78: {  	v2 =	vmul.f32 $8.000000000e+00, v12;
	s26 =	sadd.s32 $0x200, s26;
	[tilespmem:s24+$0xFFFFFF20] =	vst v9;
	v7 =	vld [tilespmem:s24+$0xFFFFFF30];
	v9 =	vmul.f32 $8.000000000e+00, v13  }
0x79: {  	[tilespmem:s24+$0xFFFFFF00] =	vst v8  }
0x7a: {  	[tilespmem:s24+$0xFFFFFF10] =	vst v1  }
0x7b: {  	v6 =	vmul.f32 $8.000000000e+00, v6;
	[tilespmem:s24+$0xFFFFFF90] =	vst v9  }
0x7c: {  	v0 =	vmul.f32 $8.000000000e+00, v0;
	[tilespmem:s24+$0x30] =	vst v2  }
0x7d: {  	v3 =	vmul.f32 $8.000000000e+00, v3;
	[tilespmem:s24+$0xB0] =	vst v6  }
0x7e: {  	[tilespmem:s24+$0x10] =	vst v0;
	v62 =	vmul.f32 $8.000000000e+00, v4  }
0x7f: {  	s22 =	sshll.u32 s22, $0xF;
	p1 =	sne.s32 s21, $0x63;
	[tilespmem:s24+$0x0] =	vst v3;
	v63 =	vmul.f32 $8.000000000e+00, v5  }
.Ltmp2:
0x80: {  	s22 =	sadd.s32 s3, s22;
	v61 =	vmul.f32 $8.000000000e+00, v7;
	[tilespmem:s24+$0xFFFFFFB0] =	vst v62;
	(pc) =	sbr.rel @p1 .LBB2_4-.Ltmp2, $4  }
0x81: {  	s22 =	sshrl.u32 s22, $0x3;
	[tilespmem:s24+$0xFFFFFFA0] =	vst v63  }
0x82: {  	s23 =	sadd.s32 $0x6400, s23;
	s22 =	sadd.s32 s4, s22;
	[tilespmem:s24+$0xFFFFFF30] =	vst v61  }
0x83: {  	[hbm4b:s22+s2] =	stream.linear.scatter [tilespmem:s23], [sflag:$0x2], $0x8000, $0x38;
	[tilespmem:$0x16400] =	vst v63  }
0x84: {  	p0 =	por !p0, !p0;
	s22 =	smov.u32 s21  }
0x85: {  	_ =	swait.ge [sflag:s18], $0x4000  }
0x86: {  	[sflag:s18] =	ssyncset.done $0x0  }
0x87: {  	[sflag:s18] =	ssyncadd.s32 $0xFFFFC000  }
0x88: {  	_ =	swait.ge [sflag:s18], $0x4000  }
0x89: {  	[sflag:s18] =	ssyncset.done $0x0  }
0x8a: {  	s21 =	simm.s32 $0xE400;
	[sflag:s18] =	ssyncadd.s32 $0xFFFFC000  }
0x8b: {  	v1 =	vld [tilespmem:s21+$0x120]  }
0x8c: {  	v2 =	vld [tilespmem:s21+$0x80]  }
0x8d: {  	v3 =	vld [tilespmem:s21+$0x1A0]  }
0x8e: {  	v4 =	vld [tilespmem:s21+$0x190]  }
0x8f: {  	v5 =	vld [tilespmem:s21+$0x20]  }
0x90: {  	v0 =	vld [tilespmem:s21+$0x110]  }
0x91: {  	v7 =	vld [tilespmem:s21+$0x10]  }
0x92: {  	v8 =	vld [tilespmem:s21+$0x180]  }
0x93: {  	v9 =	vld [tilespmem:s21+$0x0];
	v4 =	vmul.f32 $8.000000000e+00, v4  }
0x94: {  	v10 =	vld [tilespmem:s21+$0x130];
	v1 =	vmul.f32 $8.000000000e+00, v1  }
0x95: {  	v11 =	vld [tilespmem:s21+$0x90];
	v2 =	vmul.f32 $8.000000000e+00, v2;
	[tilespmem:s21+$0x190] =	vst v4  }
0x96: {  	v6 =	vld [tilespmem:s21+$0x1B0];
	v4 =	vmul.f32 $8.000000000e+00, v3;
	[tilespmem:s21+$0x120] =	vst v1  }
0x97: {  	v12 =	vmul.f32 $8.000000000e+00, v5;
	v3 =	vld [tilespmem:s21+$0x100];
	[tilespmem:s21+$0x80] =	vst v2  }
0x98: {  	v2 =	vmul.f32 $8.000000000e+00, v8;
	[tilespmem:s21+$0x1A0] =	vst v4;
	v4 =	vld [tilespmem:s21+$0xB0]  }
0x99: {  	v5 =	vld [tilespmem:s21+$0xA0];
	v8 =	vmul.f32 $8.000000000e+00, v9;
	v1 =	vmul.f32 $8.000000000e+00, v7;
	[tilespmem:s21+$0x20] =	vst v12  }
0x9a: {  	s22 =	simm.s32 $0x0;
	s23 =	simm.s32 $0xE600;
	v7 =	vld [tilespmem:s21+$0x30];
	v9 =	vmul.f32 $8.000000000e+00, v11;
	[tilespmem:s21+$0x180] =	vst v2;
	v2 =	vmul.f32 $8.000000000e+00, v10  }
.LBB2_8:
0x9b: {  	v10 =	vld [tilespmem:s23+$0x120];
	s22 =	sadd.s32 $0x4, s22;
	[tilespmem:s21+$0x0] =	vst v8;
	v0 =	vmul.f32 $8.000000000e+00, v0;
	v6 =	vmul.f32 $8.000000000e+00, v6  }
0x9c: {  	v8 =	vld [tilespmem:s23+$0x80];
	p0 =	slt.u32 s22, $0xFC;
	[tilespmem:s21+$0x90] =	vst v9;
	v3 =	vmul.f32 $8.000000000e+00, v3  }
0x9d: {  	v9 =	vld [tilespmem:s23+$0x1A0];
	v4 =	vmul.f32 $8.000000000e+00, v4;
	[tilespmem:s21+$0x1B0] =	vst v6  }
0x9e: {  	v11 =	vld [tilespmem:s23+$0x20];
	v5 =	vmul.f32 $8.000000000e+00, v5;
	[tilespmem:s21+$0x100] =	vst v3  }
0x9f: {  	v3 =	vld [tilespmem:s23+$0x190];
	v6 =	vmul.f32 $8.000000000e+00, v7;
	[tilespmem:s21+$0x110] =	vst v0  }
0xa0: {  	v0 =	vld [tilespmem:s23+$0x110];
	v7 =	vmul.f32 $8.000000000e+00, v10;
	[tilespmem:s21+$0x10] =	vst v1  }
0xa1: {  	v1 =	vld [tilespmem:s23+$0x10];
	[tilespmem:s21+$0x30] =	vst v6  }
0xa2: {  	v10 =	vld [tilespmem:s23+$0x180];
	v9 =	vmul.f32 $8.000000000e+00, v9;
	[tilespmem:s21+$0x130] =	vst v2  }
0xa3: {  	v2 =	vld [tilespmem:s23+$0x0];
	[tilespmem:s21+$0xB0] =	vst v4  }
0xa4: {  	v12 =	vld [tilespmem:s23+$0x130];
	v3 =	vmul.f32 $8.000000000e+00, v3;
	[tilespmem:s21+$0xA0] =	vst v5;
	s21 =	smov.u32 s23  }
0xa5: {  	v13 =	vld [tilespmem:s23+$0x90];
	[tilespmem:s23+$0x120] =	vst v7  }
.Ltmp3:
0xa6: {  	v4 =	vmul.f32 $8.000000000e+00, v8;
	[tilespmem:s23+$0x190] =	vst v3;
	v6 =	vld [tilespmem:s23+$0x1B0];
	(pc) =	sbr.rel @p0 .LBB2_8-.Ltmp3, $4  }
0xa7: {  	v3 =	vld [tilespmem:s23+$0x100];
	v7 =	vmul.f32 $8.000000000e+00, v10;
	[tilespmem:s23+$0x1A0] =	vst v9  }
0xa8: {  	v9 =	vmul.f32 $8.000000000e+00, v11;
	[tilespmem:s23+$0x80] =	vst v4;
	v4 =	vld [tilespmem:s23+$0xB0]  }
0xa9: {  	v1 =	vmul.f32 $8.000000000e+00, v1;
	v8 =	vmul.f32 $8.000000000e+00, v2;
	v5 =	vld [tilespmem:s23+$0xA0];
	[tilespmem:s23+$0x180] =	vst v7  }
0xaa: {  	v2 =	vmul.f32 $8.000000000e+00, v12;
	s23 =	sadd.s32 $0x200, s23;
	[tilespmem:s21+$0x20] =	vst v9;
	v7 =	vld [tilespmem:s21+$0x30];
	v9 =	vmul.f32 $8.000000000e+00, v13  }
0xab: {  	[tilespmem:s21+$0x0] =	vst v8  }
0xac: {  	[tilespmem:s21+$0x10] =	vst v1  }
0xad: {  	v6 =	vmul.f32 $8.000000000e+00, v6;
	[tilespmem:s21+$0x90] =	vst v9  }
0xae: {  	v0 =	vmul.f32 $8.000000000e+00, v0;
	[tilespmem:s21+$0x130] =	vst v2  }
0xaf: {  	v3 =	vmul.f32 $8.000000000e+00, v3;
	[tilespmem:s21+$0x1B0] =	vst v6  }
0xb0: {  	[tilespmem:s21+$0x110] =	vst v0;
	v62 =	vmul.f32 $8.000000000e+00, v4  }
0xb1: {  	[tilespmem:s21+$0x100] =	vst v3;
	v63 =	vmul.f32 $8.000000000e+00, v5  }
0xb2: {  	v61 =	vmul.f32 $8.000000000e+00, v7;
	[tilespmem:s21+$0xB0] =	vst v62  }
0xb3: {  	[tilespmem:s21+$0xA0] =	vst v63  }
0xb4: {  	s20 =	sadd.s32 $0x1, s20;
	[tilespmem:s21+$0x30] =	vst v61  }
0xb5: {  	[hbm4b:s8+s2] =	stream.linear.scatter [tilespmem:s15], [sflag:$0x2], $0x8000, $0x38;
	[tilespmem:$0x16400] =	vst v63  }
0xb6: {  	p0 =	sne.s32 s20, s9;
	_ =	swait.ge [sflag:s19], $0x8000  }
.Ltmp4:
0xb7: {  	[sflag:s19] =	ssyncset.done $0x0;
	(pc) =	sbr.rel @p0 .LBB2_1-.Ltmp4, $4  }
0xb8: {  	[sflag:s19] =	ssyncadd.s32 $0xFFFF8000  }
0xb9: {  	_ =	swait.ge [sflag:s19], $0x8000  }
0xba: {  	[sflag:s19] =	ssyncset.done $0x0  }
0xbb: {  	[sflag:s19] =	ssyncadd.s32 $0xFFFF8000  }
0xbc: {  	_ =	sfence.sel $0x180000  }
0xbd: {  	[bflag:$0x0] =	sbarrier.arrive $0xFFFF  }
0xbe: {  	p0 =	sne.s32 s1, $0x0;
	_ =	strace $0x90000047  }
0xbf: {  	s0 =	sadd.s32 @!p0 $0x100000, s0;
	[bflag:$0x2] =	sbarrier.arrive $0xFFFF  }
0xc0: {  	[sflag:s0] =	ssyncadd.tile.s32 @!p0 $0x1;
	_ =	shalt  }
.Lfunc_end2:
_tile_overlayer_lowered:
.L_overlay_start_2:
0xc1: {  	(tag) =	ssettag $0x2  }
0xc2: {  	s0 =	rddreg [dreg:$0x0];
	s2 =	stileid.u32  }
0xc3: {  	s1 =	rddreg [dreg:$0x1];
	p0 =	sne.s32 s2, $0x0  }
0xc4: {  	s3 =	rddreg [dreg:$0x2];
	[bflag:$0x3] =	sbarrier.arrive $0xFFFF;
	s2 =	simm.s32 @!p0 $0x1C03  }
0xc5: {  	[timem:s3], [sflag:s2] =	dma.local @!p0 [hbm:s0], s1  }
0xc6: {  	s0 =	simm.s32 @!p0 $0x3  }
0xc7: {  	_ =	swait.ge @!p0 [sflag:s0], s1  }
0xc8: {  	s1 =	ssub.s32 @!p0 $0x0, s1;
	[sflag:s0] =	ssyncset.done @!p0 $0x0  }
0xc9: {  	[sflag:s0] =	ssyncadd.s32 @!p0 s1  }
0xca: {  	[bflag:$0x3] =	sbarrier.arrive $0xFFFF  }
0xcb: {  	_ =	shalt  }

// kernel: sparse-core-data-format-call.cloned.1.call-start
scs
called_computation_lowered:
.L_overlay_start_0:
0x0: {  	s2 =	sld [smem:$0x3FD9]  }
0x1: {  	s3 =	sld [smem:$0x3FFE];
	_ =	sdelay $0x1  }
0x2: {  	s1 =	srdreg.scid  }
0x3: {  	s0 =	sand.u32 $0x1, s1  }
0x4: {  	s18 =	sshll.u32 s0, $0xA;
	s2 =	sadd.s32 s3, s2  }
0x5: {  	s2 =	sadd.s32 s2, s18  }
0x6: {  	[smem:$0x3FC6] =	sst s2  }
0x7: {  	_ = 	snop  }
0x8: {  	s2 =	sld [smem:$0x3FD0];
	(tm) =	ssettm $0x1  }
0x9: {  	s19 =	sld [smem:$0x3FFB];
	_ =	sdelay $0x3  }
0xa: {  	_ =	strace s19  }
0xb: {  	s3 =	sld [smem:$0x3FFC];
	_ =	sdelay $0x3  }
0xc: {  	_ =	strace s3  }
0xd: {  	s3 =	sld [smem:$0x3FFD];
	_ =	sdelay $0x3  }
0xe: {  	_ =	strace s3  }
0xf: {  	_ =	strace $0x8FFFFFFF  }
0x10: {  	s20 =	sld [smem:$0x3FDB];
	_ =	sdelay $0x1  }
0x11: {  	s4 =	simm.s32 $_scs_section_size  }
0x12: {  	s5 =	simm.s32 $_size__tile_overlayer_lowered;
	s6 =	simm.s32 $_tile_overlayer_lowered  }
0x13: {  	s23 =	simm.s32 $0x1BFF;
	s22 =	sshll.u32 s6, $0x1;
	s3 =	sadd.s32 s4, s20  }
0x14: {  	s7 =	simm.s32 $0x0;
	s21 =	sshll.u32 s5, $0x1;
	s5 =	sadd.s32 s22, s3  }
0x15: {  	[timem:s7], [sflag:s23] =	dma.local [hbm:s5], s21  }
0x16: {  	_ =	swait.ge [sflag:s23], s21  }
0x17: {  	s4 =	ssub.s32 $0x0, s21;
	[sflag:s23] =	ssyncset.done $0x0  }
0x18: {  	[sflag:s23] =	ssyncadd.s32 s4;
	_ =	sdelay $0x1  }
0x19: {  	s24 =	simm.s32 $0x1B8B  }
0x1a: {  	_ =	swait.ge [sflag:s24], $0x1  }
0x1b: {  	[sflag:s24] =	ssyncset.done $0x0  }
0x1c: {  	s26 =	simm.s32 $0x1B8E;
	s25 =	sld [smem:$0x3FFE];
	[sflag:s24] =	ssyncadd.s32 $0xFFFFFFFF  }
0x1d: {  	s27 =	simm.s32 $execute0_lowered;
	[smem:$0x3FD2] =	sst s26  }
0x1e: {  	s5 =	sshll.u32 s27, $0x1;
	_ =	strace $0x80000049;
	[dreg:$0x1] =	wrdreg $0xFFFFFFFF  }
0x1f: {  	s28 =	simm.s32 $_size_execute0_lowered;
	s3 =	sadd.s32 s3, s5;
	[dreg:$0x0] =	wrdreg $0x0  }
0x20: {  	s5 =	sshll.u32 s28, $0x1;
	[dreg:$0x2] =	wrdreg s3  }
0x21: {  	[dreg:$0x3] =	wrdreg s5  }
0x22: {  	[dreg:$0x4] =	wrdreg $0xC0  }
0x23: {  	_ =	task [dreg:s7], $0x5FFFF  }
0x24: {  	[dreg:$0x1] =	wrdreg $0xFFFFFFFF  }
0x25: {  	[dreg:$0x0] =	wrdreg $0x60  }
0x26: {  	[dreg:$0x2] =	wrdreg s25  }
0x27: {  	[dreg:$0x3] =	wrdreg s2  }
0x28: {  	[dreg:$0x4] =	wrdreg $0x9  }
0x29: {  	_ =	task.clear_ibuf [dreg:s7], $0x5FFFF;
	_ =	strace $0x90000049  }
0x2a: {  	s29 =	simm.s32 $0x9;
	_ =	strace $0x8000004B  }
0x2b: {  	_ =	swait.ge [sflag:s29], $0x1  }
0x2c: {  	[sflag:s29] =	ssyncadd.s32 $0xFFFFFFFF  }
0x2d: {  	_ =	strace $0x9000004B  }
0x2e: {  	_ =	sfence  }
0x2f: {  	s30 =	sld [smem:$0x0];
	_ =	sdelay $0x2  }
0x30: {  	s31 =	sshll.u32 s1, $0xD;
	s1 =	sshrl.u32 s1, $0x2  }
0x31: {  	s3 =	sand.u32 $0x4000, s31;
	s1 =	sadd.s32 s1, s30  }
0x32: {  	s0 =	sor.u32 s3, s0;
	s1 =	sshll.u32 s1, $0x11  }
0x33: {  	s0 =	sor.u32 s1, s0  }
0x34: {  	s0 =	sadd.s32 $0x8F2B, s0  }
0x35: {  	[sflag:s0] =	ssyncadd.remote.s32 $0x1  }
0x36: {  	_ =	sfence.sel $0xFFFF  }
0x37: {  	[dreg:$0x0] =	wrdreg $0xFFFFFFFF;
	(pc) =	sbr.abs _section_cstart, $3  }
0x38: {  	[dreg:$0x1] =	wrdreg $0xFFFFFFFF  }
0x39: {  	_ =	task.clear_ibuf [dreg:s7], $0x2FFFF;
	_ =	strace $0x9FFFFFFF  }
0x3a: {  	(tm) =	ssettm $0x7FFFFFFF  }
0x3b: {  	_ =	shalt  }
tec
execute0_lowered:
.L_overlay_start_1:
0x0: {  	(tag) =	ssettag $0x1  }
0x1: {  	s0 =	srdreg.scid  }
0x2: {  	s1 =	sshll.u32 s0, $0x4  }
0x3: {  	s0 =	stileid.u32;
	s1 =	sand.u32 $0x10, s1  }
0x4: {  	s1 =	sor.u32 s0, s1  }
0x5: {  	s6 =	rddreg [dreg:$0x0];
	s4 =	simm.s32 $0x1;
	s2 =	sshll.u32 s1, $0x7  }
0x6: {  	s7 =	simm.s32 $0x2;
	s12 =	simm.s32 $0x0;
	s1 =	ssub.s32 $0x1000, s2  }
0x7: {  	s8 =	simm.s32 $0x8000;
	s13 =	simm.s32 $0x0;
	s3 =	sand.u32 $0xF80, s1  }
0x8: {  	s9 =	simm.s32 $0x0;
	s5 =	sshrl.u32 s1, $0xC;
	p0 =	sne.s32 s3, $0x0  }
.Ltmp0:
0x9: {  	s1 =	rddreg [dreg:$0x2];
	s4 =	simm.s32 @!p0 $0x0;
	(pc) =	sbr.rel .LBB1_1-.Ltmp0, $4  }
0xa: {  	s11 =	simm.s32 $0x0;
	s3 =	rddreg [dreg:$0x1];
	s5 =	sadd.s32 s4, s5  }
0xb: {  	_ =	strace $0x8000004A;
	s4 =	simm.s32 $0x1;
	s5 =	smul.u32 $0xC8, s5  }
0xc: {  	s6 =	sadd.s32 $0xA00, s6;
	s10 =	smov.u32 s2;
	[sflag:s4] =	ssyncpa.u1 $0x0  }
0xd: {  	p0 =	por $0x0, $0x0;
	[sflag:s7] =	ssyncpa.u1 $0x0;
	s7 =	sor.u32 $0x1, s5  }
.LBB1_4:
0xe: {  	s16 =	sshll.u32 s13, $0x3;
	s17 =	sand.u32 $0x78, s13  }
0xf: {  	s30 =	sand.u32 $0x7E00, s13;
	s12 =	sshll.u32 s12, $0xF;
	s16 =	sand.u32 $0xC00, s16  }
0x10: {  	[tilespmem:s15+$0x810 ss:$0x81] =	vst.msk $0xffff, v2;
	s31 =	sand.u32 $0x7, s13;
	s16 =	sor.u32 s17, s16;
	s17 =	sadd.s32 s3, s30  }
0x11: {  	[tilespmem:s15+$0x1020 ss:$0x81] =	vst.msk $0xffff, v0;
	s13 =	sshll.u32 s31, $0x12;
	s12 =	sadd.s32 s12, s17;
	s16 =	sshrl.u32 s16, $0x3  }
0x12: {  	[tilespmem:s15+$0x0 ss:$0x81] =	vst.msk $0xffff, v1;
	s13 =	sor.u32 $0x400, s13;
	s12 =	sadd.s32 s16, s12  }
0x13: {  	[hbm4b:s12+s13] =	stream.strided.scatter [tilespmem:s14], [sflag:$0x2], $0x2000, s8, s13, $0x20;
	[tilespmem:$0x8080] =	vst v63  }
.LBB1_5:
0x14: {  	s14 =	sadd.s32 $0x1, s9  }
0x15: {  	s12 =	sadd.s32 $0x1000, s10;
	s16 =	smov.u32 s10;
	p2 =	sgt.s32 s14, $0xC7  }
0x16: {  	s16 =	smov.u32 @p2 s12  }
0x17: {  	s14 =	simm.s32 @p2 $0x0;
	p2 =	sgt.s32 s16, $0xFFF  }
0x18: {  	s16 =	smov.u32 @p2 s2;
	p2 =	sne.s32 s11, s7  }
.Ltmp1:
0x19: {  	p1 =	slt.u32 s11, $0x2;
	(pc) =	sbr.rel @!p2 .LBB1_6-.Ltmp1, $4  }
0x1a: {  	s15 =	simm.s32 @!p1 $0x2  }
0x1b: {  	s13 =	smov.u32 s10;
	p0 =	por !p0, !p0;
	_ =	swait.ge @!p1 [sflag:s15], $0x2000  }
0x1c: {  	s12 =	smov.u32 s9;
	[sflag:s15] =	ssyncset.done @!p1 $0x0;
	s9 =	smov.u32 s14  }
0x1d: {  	s11 =	sadd.s32 $0x1, s11;
	[sflag:s15] =	ssyncadd.s32 @!p1 $0xFFFFE000;
	s10 =	smov.u32 s16  }
.LBB1_1:
0x1e: {  	p1 =	sge.u32 s11, s5  }
0x1f: {  	s14 =	sand.u32 @!p1 $0x1FFFFFF, s9  }
0x20: {  	s15 =	smulhi.u32 @!p1 $0x147AE15, s14;
	_ =	sdelay $0x1  }
0x21: {  	s15 =	smul.u32 @!p1 $0xC8, s15  }
0x22: {  	s16 =	sxor.u32 @!p1 $0xFFFFFFFF, s11;
	s17 =	smul.u32 @!p1 $0xC80, s10  }
0x23: {  	s31 =	sadd.s32 $0xFFFFFFFF, s11;
	s16 =	sshll.u32 @!p1 s16, $0xD;
	s14 =	ssub.s32 @!p1 s14, s15  }
0x24: {  	s15 =	sand.u32 @!p1 $0x2000, s16;
	s16 =	sadd.s32 @!p1 s6, s17;
	s14 =	sshll.u32 @!p1 s14, $0x4  }
0x25: {  	s17 =	simm.s32 @!p1 $0x6400;
	s14 =	sadd.s32 @!p1 s14, s16;
	s16 =	simm.s32 @!p1 $0x40  }
0x26: {  	[tilespmem:s15], [sflag:$0x1] =	stream.strided.gather @!p1 [hbm4b:s14+s16], $0x2000, s17, s16, $0x38;
	[tilespmem:$0x8080] =	vst v63  }
0x27: {  	p1 =	sge.u32 s31, s5  }
.Ltmp2:
0x28: {  	_ = 	snop;
	(pc) =	sbr.rel @p1 .LBB1_5-.Ltmp2, $1  }
0x29: {  	_ =	sdelay $0x3  }
0x2a: {  	s14 =	simm.s32 $0x1  }
0x2b: {  	_ =	swait.ge [sflag:s4], $0x2000;
	s14 =	simm.s32 @!p0 $0x0  }
0x2c: {  	[sflag:s4] =	ssyncset.done $0x0;
	s15 =	sshll.u32 s14, $0xD  }
0x2d: {  	[sflag:s4] =	ssyncadd.s32 $0xFFFFE000;
	s18 =	sor.u32 $0x20, s15  }
0x2e: {  	s14 =	smul.u32 $0x8100, s14;
	v3 =	vld [tilespmem:s18+$0x10]  }
0x2f: {  	s30 =	sand.u32 $0x1, s11;
	v2 =	vld [tilespmem:s18+$0xFFFFFFF0]  }
0x30: {  	s15 =	smul.u32 $0x8100, s30;
	s14 =	sshrl.u32 s14, $0x2;
	v0 =	vld [tilespmem:s18+$0x0]  }
0x31: {  	v1 =	vld [tilespmem:s18+$0xFFFFFFE0];
	s16 =	sor.u32 $0x4000, s14  }
0x32: {  	s31 =	sshrl.u32 s15, $0x2;
	s15 =	sadd.s32 $0x0, s16  }
0x33: {  	s17 =	simm.s32 $0x4;
	s18 =	sadd.s32 $0x40, s18;
	s14 =	sor.u32 $0x4000, s31;
	[tilespmem:s15+$0x1830 ss:$0x81] =	vst.msk $0xffff, v3  }
.LBB1_3:
0x34: {  	v3 =	vld [tilespmem:s18+$0x10];
	p1 =	sne.s32 s17, $0x1FC;
	[tilespmem:s15+$0x810 ss:$0x81] =	vst.msk $0xffff, v2;
	s19 =	smov.u32 s17;
	s17 =	sadd.s32 $0x4, s17  }
.Ltmp3:
0x35: {  	v2 =	vld [tilespmem:s18+$0xFFFFFFF0];
	[tilespmem:s15+$0x1020 ss:$0x81] =	vst.msk $0xffff, v0;
	(pc) =	sbr.rel @p1 .LBB1_3-.Ltmp3, $4  }
0x36: {  	v0 =	vld [tilespmem:s18+$0x0];
	[tilespmem:s15+$0x0 ss:$0x81] =	vst.msk $0xffff, v1  }
0x37: {  	s15 =	sshra.s32 s19, $0x2;
	v1 =	vld [tilespmem:s18+$0xFFFFFFE0]  }
0x38: {  	s15 =	sadd.s32 s15, s16  }
0x39: {  	s18 =	sadd.s32 $0x40, s18;
	[tilespmem:s15+$0x1830 ss:$0x81] =	vst.msk $0xffff, v3  }
.Ltmp4:
0x3a: {  	_ = 	snop;
	(pc) =	sbr.rel .LBB1_4-.Ltmp4, $1  }
0x3b: {  	_ =	sdelay $0x3  }
.LBB1_6:
0x3c: {  	_ =	sfence.sel $0x180000  }
0x3d: {  	s2 =	simm.s32 $0x1;
	[bflag:$0x0] =	sbarrier.arrive $0xFFFF  }
0x3e: {  	s31 =	simm.s32 $0x2;
	[sflag:s2] =	ssyncpa.u1 $0x1  }
0x3f: {  	[sflag:s31] =	ssyncpa.u1 $0x1  }
0x40: {  	p0 =	sne.s32 s0, $0x0;
	_ =	strace $0x9000004A  }
0x41: {  	s0 =	sadd.s32 @!p0 $0x100000, s1;
	[bflag:$0x2] =	sbarrier.arrive $0xFFFF  }
0x42: {  	[sflag:s0] =	ssyncadd.tile.s32 @!p0 $0x1;
	_ =	shalt  }
.Lfunc_end1:
_tile_overlayer_lowered:
.L_overlay_start_2:
0x43: {  	(tag) =	ssettag $0x2  }
0x44: {  	s0 =	rddreg [dreg:$0x0];
	s2 =	stileid.u32  }
0x45: {  	s1 =	rddreg [dreg:$0x1];
	p0 =	sne.s32 s2, $0x0  }
0x46: {  	s3 =	rddreg [dreg:$0x2];
	[bflag:$0x3] =	sbarrier.arrive $0xFFFF;
	s2 =	simm.s32 @!p0 $0x1C01  }
0x47: {  	[timem:s3], [sflag:s2] =	dma.local @!p0 [hbm:s0], s1  }
0x48: {  	s0 =	simm.s32 @!p0 $0x1  }
0x49: {  	_ =	swait.ge @!p0 [sflag:s0], s1  }
0x4a: {  	s1 =	ssub.s32 @!p0 $0x0, s1;
	[sflag:s0] =	ssyncset.done @!p0 $0x0  }
0x4b: {  	[sflag:s0] =	ssyncadd.s32 @!p0 s1  }
0x4c: {  	[bflag:$0x3] =	sbarrier.arrive $0xFFFF  }
0x4d: {  	_ =	shalt  }

</sc_bundles>
